<compile_context>
chip_gen: v7x
topology: tpu7x:2x2x1
jax: 0.10.2.dev20260603
libtpu: 0.0.44.dev20260713+nightly
codegen_flags: <defaults>
</compile_context>

<pallas_src>
import functools

import jax
import jax.numpy as jnp
from jax import lax
from jax.experimental import pallas as pl
from jax.experimental.pallas import tpu as pltpu
from jax.experimental.pallas import tpu_sc as plsc

_N = 5000
_C = 81
_LP = 5120
_REC = 128
_K = 256
_KBUF = 384
_SCORE_T = 0.05
_IOU_T = 0.5
_NCHUNK = _LP // 16


def _prep_body(s80_ref, s0_ref, cur_ref):
    s80 = s80_ref[...]
    s0 = s0_ref[0:1, :]
    m = jnp.maximum(jnp.max(s80, axis=0, keepdims=True), s0)
    e80 = jnp.exp(s80 - m)
    denom = jnp.sum(e80, axis=0, keepdims=True) + jnp.exp(s0 - m)
    p80 = e80 / denom
    lane = lax.broadcasted_iota(jnp.int32, (80, _LP), 1)
    cur_ref[...] = jnp.where((p80 > _SCORE_T) & (lane < _N), p80, -1.0)


def _sc_compact_body(cur_hbm, x1_hbm, y1_hbm, x2_hbm, y2_hbm,
                     osc_hbm, ox1_hbm, oy1_hbm, ox2_hbm, oy2_hbm, ocnt_hbm,
                     sc_v, x1_v, y1_v, x2_v, y2_v,
                     bsc_v, bx1_v, by1_v, bx2_v, by2_v, cnt_v):
    info = plsc.get_sparse_core_info()
    nc = info.num_cores
    wid = lax.axis_index("s") * nc + lax.axis_index("c")

    lanev = lax.iota(jnp.int32, 16)
    last = jnp.full((16,), 15, jnp.int32)

    def lgather(x, idx):
        return x.at[idx].get(mode="promise_in_bounds")

    def do_class(j):
        pltpu.sync_copy(cur_hbm.at[j], sc_v)
        pltpu.sync_copy(x1_hbm.at[j], x1_v)
        pltpu.sync_copy(y1_hbm.at[j], y1_v)
        pltpu.sync_copy(x2_hbm.at[j], x2_v)
        pltpu.sync_copy(y2_hbm.at[j], y2_v)

        def chunk(i, off):
            v = sc_v[pl.ds(i * 16, 16)]
            msk = v > 0.0
            tot = jnp.sum(jnp.where(msk, 1.0, 0.0)).astype(jnp.int32)

            @pl.when(tot > 0)
            def _():
                c = jnp.where(msk, 1, 0).astype(jnp.int32)
                for d in (1, 2, 4, 8):
                    sh = lgather(c, jnp.maximum(lanev - d, 0))
                    c = c + jnp.where(lanev >= d, sh, 0)
                idx = off + c - 1
                okm = msk & (idx < _KBUF)
                plsc.store_scatter(bsc_v, [idx], v, mask=okm)
                plsc.store_scatter(
                    bx1_v, [idx], x1_v[pl.ds(i * 16, 16)], mask=okm)
                plsc.store_scatter(
                    by1_v, [idx], y1_v[pl.ds(i * 16, 16)], mask=okm)
                plsc.store_scatter(
                    bx2_v, [idx], x2_v[pl.ds(i * 16, 16)], mask=okm)
                plsc.store_scatter(
                    by2_v, [idx], y2_v[pl.ds(i * 16, 16)], mask=okm)

            return off + tot

        count = lax.fori_loop(0, _NCHUNK, chunk, jnp.int32(0))
        cnt_v[...] = jnp.broadcast_to(count, (16,)).astype(jnp.int32)
        pltpu.sync_copy(cnt_v, ocnt_hbm.at[j])
        pltpu.sync_copy(bsc_v, osc_hbm.at[j])
        pltpu.sync_copy(bx1_v, ox1_hbm.at[j])
        pltpu.sync_copy(by1_v, oy1_hbm.at[j])
        pltpu.sync_copy(bx2_v, ox2_hbm.at[j])
        pltpu.sync_copy(by2_v, oy2_hbm.at[j])

    for t in range(3):
        j = wid + 32 * t

        @pl.when(j < 80)
        def _():
            do_class(j)


def _run_nms(cur0, x1, y1, x2, y2, width):
    lane = lax.broadcasted_iota(jnp.int32, (80, width), 1)
    area = (x2 - x1) * (y2 - y1)
    rlane = lax.broadcasted_iota(jnp.int32, (80, _REC), 1)
    rneg = jnp.full((80, _REC), -1.0, dtype=jnp.float32)
    rzero = jnp.zeros((80, _REC), dtype=jnp.float32)

    def body(carry):
        cur, k, _, rs, rx1, ry1, rx2, ry2 = carry
        mx = jnp.max(cur, axis=1, keepdims=True)
        has = mx > 0.0
        go = jnp.max(mx) > 0.0
        candm = (cur == mx) & has
        idx = jnp.min(jnp.where(candm, lane, width), axis=1, keepdims=True)
        oh = lane == idx
        sx1 = jnp.sum(jnp.where(oh, x1, 0.0), axis=1, keepdims=True)
        sy1 = jnp.sum(jnp.where(oh, y1, 0.0), axis=1, keepdims=True)
        sx2 = jnp.sum(jnp.where(oh, x2, 0.0), axis=1, keepdims=True)
        sy2 = jnp.sum(jnp.where(oh, y2, 0.0), axis=1, keepdims=True)
        sarea = (sx2 - sx1) * (sy2 - sy1)
        iw = jnp.clip(jnp.minimum(x2, sx2) - jnp.maximum(x1, sx1), 0.0)
        ih = jnp.clip(jnp.minimum(y2, sy2) - jnp.maximum(y1, sy1), 0.0)
        inter = iw * ih
        iou = inter / (area + sarea - inter + 1e-9)
        supp = (iou > _IOU_T) & has
        newcur = jnp.where(supp | oh, -1.0, cur)

        slot = jnp.minimum(k, _REC - 1)
        at = rlane == slot
        sc_val = jnp.where(has, mx, -1.0)
        rs = jnp.where(at, sc_val, rs)
        rx1 = jnp.where(at, sx1, rx1)
        ry1 = jnp.where(at, sy1, ry1)
        rx2 = jnp.where(at, sx2, rx2)
        ry2 = jnp.where(at, sy2, ry2)
        return newcur, k + 1, go, rs, rx1, ry1, rx2, ry2

    def cond(carry):
        return carry[2]

    init = (cur0, jnp.int32(0), jnp.bool_(True),
            rneg, rzero, rzero, rzero, rzero)
    out = lax.while_loop(cond, body, init)
    return out[3:]


def _nms_body(cnt_ref, csc_ref, cx1_ref, cy1_ref, cx2_ref, cy2_ref,
              cur_ref, x1_ref, y1_ref, x2_ref, y2_ref, out_ref):
    counts = cnt_ref[:, 0:1]

    def compact_path(_):
        pos = lax.broadcasted_iota(jnp.int32, (80, _K), 1)
        live = pos < counts
        csc = jnp.where(live, csc_ref[:, :_K], -1.0)
        return _run_nms(csc, cx1_ref[:, :_K], cy1_ref[:, :_K],
                        cx2_ref[:, :_K], cy2_ref[:, :_K], _K)

    def dense_path(_):
        return _run_nms(cur_ref[...], x1_ref[...], y1_ref[...],
                        x2_ref[...], y2_ref[...], _LP)

    rs, rx1, ry1, rx2, ry2 = lax.cond(
        jnp.max(counts) <= _K, compact_path, dense_path, operand=None)

    rlane = lax.broadcasted_iota(jnp.int32, (80, _REC), 1)
    rrow = lax.broadcasted_iota(jnp.int32, (80, _REC), 0)
    flat = rrow * _REC + rlane
    sel0 = jnp.where(rlane < 100, rs, -1.0)
    orow = lax.broadcasted_iota(jnp.int32, (104, 8), 0)
    ocol = lax.broadcasted_iota(jnp.int32, (104, 8), 1)

    def sel_body(t, carry):
        sel, acc = carry
        mx = jnp.max(sel)
        good = mx > 0.0
        fidx = jnp.min(jnp.where(sel == mx, flat, 80 * _REC))
        oh = (flat == fidx) & good
        score = jnp.where(good, mx, 0.0)
        vx1 = jnp.sum(jnp.where(oh, rx1, 0.0))
        vy1 = jnp.sum(jnp.where(oh, ry1, 0.0))
        vx2 = jnp.sum(jnp.where(oh, rx2, 0.0))
        vy2 = jnp.sum(jnp.where(oh, ry2, 0.0))
        row = (jnp.where(ocol == 0, score, 0.0)
               + jnp.where(ocol == 1, vx1, 0.0)
               + jnp.where(ocol == 2, vy1, 0.0)
               + jnp.where(ocol == 3, vx2, 0.0)
               + jnp.where(ocol == 4, vy2, 0.0))
        acc = jnp.where(orow == t, row, acc)
        sel = jnp.where(oh, -1.0, sel)
        return sel, acc

    _, acc = lax.fori_loop(
        0, 100, sel_body, (sel0, jnp.zeros((104, 8), jnp.float32)))
    out_ref[...] = acc


def kernel(scores, boxes):
    st = jnp.transpose(scores)
    st = jnp.pad(st, ((0, 0), (0, _LP - _N)), constant_values=-1e30)
    s80 = st[1:]
    s0 = jnp.pad(st[0:1], ((0, 7), (0, 0)), constant_values=-1e30)
    bt = jnp.transpose(boxes.reshape(_N, _C, 4), (1, 2, 0))[1:]
    bt = jnp.pad(bt, ((0, 0), (0, 0), (0, _LP - _N)))
    x1, y1, x2, y2 = bt[:, 0], bt[:, 1], bt[:, 2], bt[:, 3]

    cur0 = pl.pallas_call(
        _prep_body,
        out_shape=jax.ShapeDtypeStruct((80, _LP), jnp.float32),
    )(s80, s0)

    fbuf = jax.ShapeDtypeStruct((80, _KBUF), jnp.float32)
    sc_compact = functools.partial(
        pl.kernel,
        out_type=[fbuf, fbuf, fbuf, fbuf, fbuf,
                  jax.ShapeDtypeStruct((80, 16), jnp.int32)],
        mesh=plsc.VectorSubcoreMesh(core_axis_name="c", subcore_axis_name="s"),
        compiler_params=pltpu.CompilerParams(needs_layout_passes=False),
        scratch_types=[pltpu.VMEM((_LP,), jnp.float32)] * 5
        + [pltpu.VMEM((_KBUF,), jnp.float32)] * 5
        + [pltpu.VMEM((16,), jnp.int32)],
    )(_sc_compact_body)
    csc, cx1, cy1, cx2, cy2, ccnt = sc_compact(cur0, x1, y1, x2, y2)

    out = pl.pallas_call(
        _nms_body,
        out_shape=jax.ShapeDtypeStruct((104, 8), jnp.float32),
    )(ccnt, csc, cx1, cy1, cx2, cy2, cur0, x1, y1, x2, y2)
    return out[:100, :5]

# --- scband reference (transcript-rebuilt; emitter-appended) ---
"""Pipeline reference for scband-detection-model-19086834663987 (READ-ONLY COPY).

The authoritative reference and input builder live on the scoring server;
editing this copy changes nothing except your own understanding.
"""

import jax, jax.numpy as jnp
from jax import lax
import numpy as np

SCORE_THRESH = 0.05
NMS_THRESH = 0.5
DET_PER_IMG = 100
N = 5000
C = 81


def _iou_matrix(b):
    x1, y1, x2, y2 = b[:, 0], b[:, 1], b[:, 2], b[:, 3]
    areas = (x2 - x1) * (y2 - y1)
    xx1 = jnp.maximum(x1[:, None], x1[None, :])
    yy1 = jnp.maximum(y1[:, None], y1[None, :])
    xx2 = jnp.minimum(x2[:, None], x2[None, :])
    yy2 = jnp.minimum(y2[:, None], y2[None, :])
    inter = jnp.clip(xx2 - xx1, 0.0) * jnp.clip(yy2 - yy1, 0.0)
    return inter / (areas[:, None] + areas[None, :] - inter + 1e-9)


def _nms(boxes, scores, mask, thresh):
    s = jnp.where(mask, scores, -jnp.inf)
    order = jnp.argsort(-s)
    b = boxes[order]
    m = mask[order]
    sc = scores[order]
    iou = _iou_matrix(b)
    pos = jnp.arange(order.shape[0])

    def body(i, keep):
        supp = keep[i] & (iou[i] > thresh) & (pos > i)
        return keep & (~supp)

    keep = lax.fori_loop(0, order.shape[0], body, m)
    return order, keep, sc


def setup_inputs(seed: int = 0):
    key = jax.random.key(seed)
    k1, k2 = jax.random.split(key)
    scores = jax.random.normal(k1, (N, C), dtype=jnp.float32)
    r = jax.random.uniform(k2, (N, C, 4), dtype=jnp.float32)
    x1 = r[..., 0] * 900.0
    y1 = r[..., 1] * 900.0
    x2 = jnp.minimum(x1 + 4.0 + r[..., 2] * 120.0, 1024.0)
    y2 = jnp.minimum(y1 + 4.0 + r[..., 3] * 120.0, 1024.0)
    boxes = jnp.stack([x1, y1, x2, y2], axis=-1).reshape(N, 4 * C)
    return {"scores": scores, "boxes": boxes}


def reference(scores, boxes):
    # softmax over classes (as in predict()), then per-class thresh + NMS + global limit
    probs = jax.nn.softmax(scores, axis=-1)

    def scan_body(carry, j):
        pj = jnp.take(probs, j, axis=1)
        bj = lax.dynamic_slice(boxes, (0, j * 4), (N, 4))
        mask = pj > SCORE_THRESH
        order, keep, sc = _nms(bj, pj, mask, NMS_THRESH)
        return carry, (order, keep, sc)

    js = jnp.arange(1, C)
    _, (orders, keeps, scs) = lax.scan(scan_body, None, js)

    rows_flat = orders.reshape(-1)
    valid_flat = keeps.reshape(-1)
    sc_flat = scs.reshape(-1)
    cls_flat = jnp.repeat(js, N)
    T = (C - 1) * N

    count = jnp.sum(valid_flat)
    sc_asc = jnp.sort(jnp.where(valid_flat, sc_flat, jnp.inf))
    kidx = jnp.clip(count - DET_PER_IMG - 1, 0, T - 1)
    kth = sc_asc[kidx]
    apply_kth = count > DET_PER_IMG
    mask2 = valid_flat & jnp.where(apply_kth, sc_flat >= kth, True)

    sc_eff = jnp.where(mask2, sc_flat, -jnp.inf)
    top = jnp.argsort(-sc_eff)[:DET_PER_IMG]
    count2 = jnp.sum(mask2)
    n_det = jnp.minimum(count2, DET_PER_IMG)
    slot = jnp.arange(DET_PER_IMG)
    vb = slot < n_det
    valid = vb.astype(jnp.float32)

    rows_j = jnp.where(vb, rows_flat[top], 0)
    cls_j = jnp.where(vb, cls_flat[top], 1)

    sel_scores = probs[rows_j, cls_j] * valid
    col = cls_j[:, None] * 4 + jnp.arange(4, dtype=cls_j.dtype)[None, :]
    sel_boxes = boxes[rows_j[:, None], col] * valid[:, None]
    return jnp.concatenate([sel_scores[:, None], sel_boxes], axis=1)

if __name__ == "__main__":
    import jax
    _d = setup_inputs()
    print(jax.jit(kernel)(*tuple(_d.values())))

</pallas_src>

<mosaic_0001>
#map = affine_map<(d0, d1) -> (0, 0)>
module attributes {stable_mosaic.version = 14 : i64} {
  func.func @_sc_compact_body(%arg0: i32, %arg1: i32, %arg2: memref<80x5120xf32, #tpu.memory_space<hbm>>, %arg3: memref<80x5120xf32, #tpu.memory_space<hbm>>, %arg4: memref<80x5120xf32, #tpu.memory_space<hbm>>, %arg5: memref<80x5120xf32, #tpu.memory_space<hbm>>, %arg6: memref<80x5120xf32, #tpu.memory_space<hbm>>, %arg7: memref<80x384xf32, #tpu.memory_space<hbm>>, %arg8: memref<80x384xf32, #tpu.memory_space<hbm>>, %arg9: memref<80x384xf32, #tpu.memory_space<hbm>>, %arg10: memref<80x384xf32, #tpu.memory_space<hbm>>, %arg11: memref<80x384xf32, #tpu.memory_space<hbm>>, %arg12: memref<80x16xi32, #tpu.memory_space<hbm>>, %arg13: memref<5120xf32, #tpu.memory_space<vmem>>, %arg14: memref<5120xf32, #tpu.memory_space<vmem>>, %arg15: memref<5120xf32, #tpu.memory_space<vmem>>, %arg16: memref<5120xf32, #tpu.memory_space<vmem>>, %arg17: memref<5120xf32, #tpu.memory_space<vmem>>, %arg18: memref<384xf32, #tpu.memory_space<vmem>>, %arg19: memref<384xf32, #tpu.memory_space<vmem>>, %arg20: memref<384xf32, #tpu.memory_space<vmem>>, %arg21: memref<384xf32, #tpu.memory_space<vmem>>, %arg22: memref<384xf32, #tpu.memory_space<vmem>>, %arg23: memref<16xi32, #tpu.memory_space<vmem>>) attributes {dimension_semantics = [#tpu.dimension_semantics<core_parallel>, #tpu.dimension_semantics<subcore_parallel>], iteration_bounds = array<i64: 2, 16>, scalar_prefetch = 0 : i64, scratch_operands = 11 : i64, tpu.core_type = #tpu.core_type<sc_vector_subcore>, window_params = [{transform_indices = #map}, {transform_indices = #map}, {transform_indices = #map}, {transform_indices = #map}, {transform_indices = #map}, {transform_indices = #map}, {transform_indices = #map}, {transform_indices = #map}, {transform_indices = #map}, {transform_indices = #map}, {transform_indices = #map}]} {
    %mul3A = arith.constant 2 : i32
    %mul3A_0 = arith.muli %arg1, %mul3A : i32
    %add3A = arith.addi %mul3A_0, %arg0 : i32
    %iota3A = tpu.iota {dimensions = array<i32: 0>} : vector<16xi32>
    %broadcast_in_dim3A = arith.constant 15 : i32
    %broadcast_in_dim3A_1 = vector.broadcast %broadcast_in_dim3A : i32 to vector<16xi32>
    %add3A_2 = arith.constant 0 : i32
    %add3A_3 = arith.addi %add3A, %add3A_2 : i32
    %lt3A = arith.constant 80 : i32
    %lt3A_4 = arith.cmpi slt, %add3A_3, %lt3A : i32
    %convert_element_type3A = arith.extui %lt3A_4 : i1 to i32
    %cond3A = arith.constant 0 : i32
    %cond3A_5 = arith.cmpi ne, %convert_element_type3A, %cond3A : i32
    scf.if %cond3A_5 {
      "tpu.region"() ({
        %run_scoped3A = tpu.sem_alloc : memref<!tpu.dma_semaphore, #tpu.memory_space<semaphore_mem>>
        %dma_start3A = arith.constant 0 : i32
        %dma_start3A_28 = tpu.memref_slice %arg2[%add3A_3, %dma_start3A] : memref<80x5120xf32, #tpu.memory_space<hbm>> -> memref<1x5120xf32, #tpu.memory_space<hbm>>
        %dma_start3A_29 = tpu.memref_squeeze %dma_start3A_28 : memref<1x5120xf32, #tpu.memory_space<hbm>> -> memref<5120xf32, #tpu.memory_space<hbm>>
        %dma_start3A_30 = arith.constant 0 : i32
        %dma_start3A_31 = tpu.memref_slice %arg2[%add3A_3, %dma_start3A_30] : memref<80x5120xf32, #tpu.memory_space<hbm>> -> memref<1x5120xf32, #tpu.memory_space<hbm>>
        %dma_start3A_32 = tpu.memref_squeeze %dma_start3A_31 : memref<1x5120xf32, #tpu.memory_space<hbm>> -> memref<5120xf32, #tpu.memory_space<hbm>>
        tpu.enqueue_dma source(%dma_start3A_32 : memref<5120xf32, #tpu.memory_space<hbm>>) target(%arg13 : memref<5120xf32, #tpu.memory_space<vmem>>) target_semaphore(%run_scoped3A : memref<!tpu.dma_semaphore, #tpu.memory_space<semaphore_mem>>)
        %dma_wait3A = arith.constant 0 : i32
        %dma_wait3A_33 = tpu.memref_slice %arg2[%add3A_3, %dma_wait3A] : memref<80x5120xf32, #tpu.memory_space<hbm>> -> memref<1x5120xf32, #tpu.memory_space<hbm>>
        %dma_wait3A_34 = tpu.memref_squeeze %dma_wait3A_33 : memref<1x5120xf32, #tpu.memory_space<hbm>> -> memref<5120xf32, #tpu.memory_space<hbm>>
        %dma_wait3A_35 = arith.constant 0 : i32
        %dma_wait3A_36 = tpu.memref_slice %arg2[%add3A_3, %dma_wait3A_35] : memref<80x5120xf32, #tpu.memory_space<hbm>> -> memref<1x5120xf32, #tpu.memory_space<hbm>>
        %dma_wait3A_37 = tpu.memref_squeeze %dma_wait3A_36 : memref<1x5120xf32, #tpu.memory_space<hbm>> -> memref<5120xf32, #tpu.memory_space<hbm>>
        tpu.wait_dma2 semaphore(%run_scoped3A : memref<!tpu.dma_semaphore, #tpu.memory_space<semaphore_mem>>) src(%dma_wait3A_37 : memref<5120xf32, #tpu.memory_space<hbm>>) dst(%arg13 : memref<5120xf32, #tpu.memory_space<vmem>>)
        tpu.yield
      }) : () -> ()
      "tpu.region"() ({
        %run_scoped3A = tpu.sem_alloc : memref<!tpu.dma_semaphore, #tpu.memory_space<semaphore_mem>>
        %dma_start3A = arith.constant 0 : i32
        %dma_start3A_28 = tpu.memref_slice %arg3[%add3A_3, %dma_start3A] : memref<80x5120xf32, #tpu.memory_space<hbm>> -> memref<1x5120xf32, #tpu.memory_space<hbm>>
        %dma_start3A_29 = tpu.memref_squeeze %dma_start3A_28 : memref<1x5120xf32, #tpu.memory_space<hbm>> -> memref<5120xf32, #tpu.memory_space<hbm>>
        %dma_start3A_30 = arith.constant 0 : i32
        %dma_start3A_31 = tpu.memref_slice %arg3[%add3A_3, %dma_start3A_30] : memref<80x5120xf32, #tpu.memory_space<hbm>> -> memref<1x5120xf32, #tpu.memory_space<hbm>>
        %dma_start3A_32 = tpu.memref_squeeze %dma_start3A_31 : memref<1x5120xf32, #tpu.memory_space<hbm>> -> memref<5120xf32, #tpu.memory_space<hbm>>
        tpu.enqueue_dma source(%dma_start3A_32 : memref<5120xf32, #tpu.memory_space<hbm>>) target(%arg14 : memref<5120xf32, #tpu.memory_space<vmem>>) target_semaphore(%run_scoped3A : memref<!tpu.dma_semaphore, #tpu.memory_space<semaphore_mem>>)
        %dma_wait3A = arith.constant 0 : i32
        %dma_wait3A_33 = tpu.memref_slice %arg3[%add3A_3, %dma_wait3A] : memref<80x5120xf32, #tpu.memory_space<hbm>> -> memref<1x5120xf32, #tpu.memory_space<hbm>>
        %dma_wait3A_34 = tpu.memref_squeeze %dma_wait3A_33 : memref<1x5120xf32, #tpu.memory_space<hbm>> -> memref<5120xf32, #tpu.memory_space<hbm>>
        %dma_wait3A_35 = arith.constant 0 : i32
        %dma_wait3A_36 = tpu.memref_slice %arg3[%add3A_3, %dma_wait3A_35] : memref<80x5120xf32, #tpu.memory_space<hbm>> -> memref<1x5120xf32, #tpu.memory_space<hbm>>
        %dma_wait3A_37 = tpu.memref_squeeze %dma_wait3A_36 : memref<1x5120xf32, #tpu.memory_space<hbm>> -> memref<5120xf32, #tpu.memory_space<hbm>>
        tpu.wait_dma2 semaphore(%run_scoped3A : memref<!tpu.dma_semaphore, #tpu.memory_space<semaphore_mem>>) src(%dma_wait3A_37 : memref<5120xf32, #tpu.memory_space<hbm>>) dst(%arg14 : memref<5120xf32, #tpu.memory_space<vmem>>)
        tpu.yield
      }) : () -> ()
      "tpu.region"() ({
        %run_scoped3A = tpu.sem_alloc : memref<!tpu.dma_semaphore, #tpu.memory_space<semaphore_mem>>
        %dma_start3A = arith.constant 0 : i32
        %dma_start3A_28 = tpu.memref_slice %arg4[%add3A_3, %dma_start3A] : memref<80x5120xf32, #tpu.memory_space<hbm>> -> memref<1x5120xf32, #tpu.memory_space<hbm>>
        %dma_start3A_29 = tpu.memref_squeeze %dma_start3A_28 : memref<1x5120xf32, #tpu.memory_space<hbm>> -> memref<5120xf32, #tpu.memory_space<hbm>>
        %dma_start3A_30 = arith.constant 0 : i32
        %dma_start3A_31 = tpu.memref_slice %arg4[%add3A_3, %dma_start3A_30] : memref<80x5120xf32, #tpu.memory_space<hbm>> -> memref<1x5120xf32, #tpu.memory_space<hbm>>
        %dma_start3A_32 = tpu.memref_squeeze %dma_start3A_31 : memref<1x5120xf32, #tpu.memory_space<hbm>> -> memref<5120xf32, #tpu.memory_space<hbm>>
        tpu.enqueue_dma source(%dma_start3A_32 : memref<5120xf32, #tpu.memory_space<hbm>>) target(%arg15 : memref<5120xf32, #tpu.memory_space<vmem>>) target_semaphore(%run_scoped3A : memref<!tpu.dma_semaphore, #tpu.memory_space<semaphore_mem>>)
        %dma_wait3A = arith.constant 0 : i32
        %dma_wait3A_33 = tpu.memref_slice %arg4[%add3A_3, %dma_wait3A] : memref<80x5120xf32, #tpu.memory_space<hbm>> -> memref<1x5120xf32, #tpu.memory_space<hbm>>
        %dma_wait3A_34 = tpu.memref_squeeze %dma_wait3A_33 : memref<1x5120xf32, #tpu.memory_space<hbm>> -> memref<5120xf32, #tpu.memory_space<hbm>>
        %dma_wait3A_35 = arith.constant 0 : i32
        %dma_wait3A_36 = tpu.memref_slice %arg4[%add3A_3, %dma_wait3A_35] : memref<80x5120xf32, #tpu.memory_space<hbm>> -> memref<1x5120xf32, #tpu.memory_space<hbm>>
        %dma_wait3A_37 = tpu.memref_squeeze %dma_wait3A_36 : memref<1x5120xf32, #tpu.memory_space<hbm>> -> memref<5120xf32, #tpu.memory_space<hbm>>
        tpu.wait_dma2 semaphore(%run_scoped3A : memref<!tpu.dma_semaphore, #tpu.memory_space<semaphore_mem>>) src(%dma_wait3A_37 : memref<5120xf32, #tpu.memory_space<hbm>>) dst(%arg15 : memref<5120xf32, #tpu.memory_space<vmem>>)
        tpu.yield
      }) : () -> ()
      "tpu.region"() ({
        %run_scoped3A = tpu.sem_alloc : memref<!tpu.dma_semaphore, #tpu.memory_space<semaphore_mem>>
        %dma_start3A = arith.constant 0 : i32
        %dma_start3A_28 = tpu.memref_slice %arg5[%add3A_3, %dma_start3A] : memref<80x5120xf32, #tpu.memory_space<hbm>> -> memref<1x5120xf32, #tpu.memory_space<hbm>>
        %dma_start3A_29 = tpu.memref_squeeze %dma_start3A_28 : memref<1x5120xf32, #tpu.memory_space<hbm>> -> memref<5120xf32, #tpu.memory_space<hbm>>
        %dma_start3A_30 = arith.constant 0 : i32
        %dma_start3A_31 = tpu.memref_slice %arg5[%add3A_3, %dma_start3A_30] : memref<80x5120xf32, #tpu.memory_space<hbm>> -> memref<1x5120xf32, #tpu.memory_space<hbm>>
        %dma_start3A_32 = tpu.memref_squeeze %dma_start3A_31 : memref<1x5120xf32, #tpu.memory_space<hbm>> -> memref<5120xf32, #tpu.memory_space<hbm>>
        tpu.enqueue_dma source(%dma_start3A_32 : memref<5120xf32, #tpu.memory_space<hbm>>) target(%arg16 : memref<5120xf32, #tpu.memory_space<vmem>>) target_semaphore(%run_scoped3A : memref<!tpu.dma_semaphore, #tpu.memory_space<semaphore_mem>>)
        %dma_wait3A = arith.constant 0 : i32
        %dma_wait3A_33 = tpu.memref_slice %arg5[%add3A_3, %dma_wait3A] : memref<80x5120xf32, #tpu.memory_space<hbm>> -> memref<1x5120xf32, #tpu.memory_space<hbm>>
        %dma_wait3A_34 = tpu.memref_squeeze %dma_wait3A_33 : memref<1x5120xf32, #tpu.memory_space<hbm>> -> memref<5120xf32, #tpu.memory_space<hbm>>
        %dma_wait3A_35 = arith.constant 0 : i32
        %dma_wait3A_36 = tpu.memref_slice %arg5[%add3A_3, %dma_wait3A_35] : memref<80x5120xf32, #tpu.memory_space<hbm>> -> memref<1x5120xf32, #tpu.memory_space<hbm>>
        %dma_wait3A_37 = tpu.memref_squeeze %dma_wait3A_36 : memref<1x5120xf32, #tpu.memory_space<hbm>> -> memref<5120xf32, #tpu.memory_space<hbm>>
        tpu.wait_dma2 semaphore(%run_scoped3A : memref<!tpu.dma_semaphore, #tpu.memory_space<semaphore_mem>>) src(%dma_wait3A_37 : memref<5120xf32, #tpu.memory_space<hbm>>) dst(%arg16 : memref<5120xf32, #tpu.memory_space<vmem>>)
        tpu.yield
      }) : () -> ()
      "tpu.region"() ({
        %run_scoped3A = tpu.sem_alloc : memref<!tpu.dma_semaphore, #tpu.memory_space<semaphore_mem>>
        %dma_start3A = arith.constant 0 : i32
        %dma_start3A_28 = tpu.memref_slice %arg6[%add3A_3, %dma_start3A] : memref<80x5120xf32, #tpu.memory_space<hbm>> -> memref<1x5120xf32, #tpu.memory_space<hbm>>
        %dma_start3A_29 = tpu.memref_squeeze %dma_start3A_28 : memref<1x5120xf32, #tpu.memory_space<hbm>> -> memref<5120xf32, #tpu.memory_space<hbm>>
        %dma_start3A_30 = arith.constant 0 : i32
        %dma_start3A_31 = tpu.memref_slice %arg6[%add3A_3, %dma_start3A_30] : memref<80x5120xf32, #tpu.memory_space<hbm>> -> memref<1x5120xf32, #tpu.memory_space<hbm>>
        %dma_start3A_32 = tpu.memref_squeeze %dma_start3A_31 : memref<1x5120xf32, #tpu.memory_space<hbm>> -> memref<5120xf32, #tpu.memory_space<hbm>>
        tpu.enqueue_dma source(%dma_start3A_32 : memref<5120xf32, #tpu.memory_space<hbm>>) target(%arg17 : memref<5120xf32, #tpu.memory_space<vmem>>) target_semaphore(%run_scoped3A : memref<!tpu.dma_semaphore, #tpu.memory_space<semaphore_mem>>)
        %dma_wait3A = arith.constant 0 : i32
        %dma_wait3A_33 = tpu.memref_slice %arg6[%add3A_3, %dma_wait3A] : memref<80x5120xf32, #tpu.memory_space<hbm>> -> memref<1x5120xf32, #tpu.memory_space<hbm>>
        %dma_wait3A_34 = tpu.memref_squeeze %dma_wait3A_33 : memref<1x5120xf32, #tpu.memory_space<hbm>> -> memref<5120xf32, #tpu.memory_space<hbm>>
        %dma_wait3A_35 = arith.constant 0 : i32
        %dma_wait3A_36 = tpu.memref_slice %arg6[%add3A_3, %dma_wait3A_35] : memref<80x5120xf32, #tpu.memory_space<hbm>> -> memref<1x5120xf32, #tpu.memory_space<hbm>>
        %dma_wait3A_37 = tpu.memref_squeeze %dma_wait3A_36 : memref<1x5120xf32, #tpu.memory_space<hbm>> -> memref<5120xf32, #tpu.memory_space<hbm>>
        tpu.wait_dma2 semaphore(%run_scoped3A : memref<!tpu.dma_semaphore, #tpu.memory_space<semaphore_mem>>) src(%dma_wait3A_37 : memref<5120xf32, #tpu.memory_space<hbm>>) dst(%arg17 : memref<5120xf32, #tpu.memory_space<vmem>>)
        tpu.yield
      }) : () -> ()
      %scan3A = arith.constant 0 : i32
      %scan3A_20 = arith.constant 0 : i32
      %scan3A_21 = arith.constant 320 : i32
      %scan3A_22 = arith.addi %scan3A_20, %scan3A_21 : i32
      %scan3A_23 = arith.constant 1 : i32
      %scan3A_24 = scf.for %scan3A_28 = %scan3A_20 to %scan3A_22 step %scan3A_23 iter_args(%scan3A_29 = %scan3A) -> (i32)  : i32 {
        %mul3A_30 = arith.constant 16 : i32
        %mul3A_31 = arith.muli %scan3A_28, %mul3A_30 : i32
        %get3A = arith.index_cast %mul3A_31 : i32 to index
        %get3A_32 = tpu.vector_load %arg13[%get3A] {strides = array<i32>} : memref<5120xf32, #tpu.memory_space<vmem>>, vector<16xf32>,
        %gt3A = arith.constant 0.000000e+00 : f32
        %gt3A_33 = vector.broadcast %gt3A : f32 to vector<16xf32>
        %gt3A_34 = arith.cmpf ogt, %get3A_32, %gt3A_33 : vector<16xf32>
        %jit3A = arith.constant 1.000000e+00 : f32
        %jit3A_35 = arith.constant 0.000000e+00 : f32
        %broadcast_in_dim3A_36 = vector.broadcast %jit3A : f32 to vector<16xf32>
        %broadcast_in_dim3A_37 = vector.broadcast %jit3A_35 : f32 to vector<16xf32>
        %select_n3A = arith.select %gt3A_34, %broadcast_in_dim3A_36, %broadcast_in_dim3A_37 : vector<16xi1>, vector<16xf32>
        %reduce_sum3A = arith.constant true
        %reduce_sum3A_38 = vector.broadcast %reduce_sum3A : i1 to vector<16xi1>
        %reduce_sum3A_39 = tpu.scan <sum>, %select_n3A masked %reduce_sum3A_38 : vector<16xf32>, vector<16xi1> -> vector<16xf32>
        %reduce_sum3A_40 = vector.extract %reduce_sum3A_39[15] : f32 from vector<16xf32>
        %convert_element_type3A_41 = arith.fptosi %reduce_sum3A_40 : f32 to i32
        %gt3A_42 = arith.constant 0 : i32
        %gt3A_43 = arith.cmpi sgt, %convert_element_type3A_41, %gt3A_42 : i32
        %convert_element_type3A_44 = arith.extui %gt3A_43 : i1 to i32
        %cond3A_45 = arith.constant 0 : i32
        %cond3A_46 = arith.cmpi ne, %convert_element_type3A_44, %cond3A_45 : i32
        scf.if %cond3A_46 {
          %jit3A_48 = arith.constant 1 : i32
          %jit3A_49 = arith.constant 0 : i32
          %broadcast_in_dim3A_50 = vector.broadcast %jit3A_48 : i32 to vector<16xi32>
          %broadcast_in_dim3A_51 = vector.broadcast %jit3A_49 : i32 to vector<16xi32>
          %select_n3A_52 = arith.select %gt3A_34, %broadcast_in_dim3A_50, %broadcast_in_dim3A_51 : vector<16xi1>, vector<16xi32>
          %sub3A = arith.constant 1 : i32
          %sub3A_53 = vector.broadcast %sub3A : i32 to vector<16xi32>
          %sub3A_54 = arith.subi %iota3A, %sub3A_53 : vector<16xi32>
          %max3A = arith.constant 0 : i32
          %max3A_55 = vector.broadcast %max3A : i32 to vector<16xi32>
          %max3A_56 = arith.maxsi %sub3A_54, %max3A_55 : vector<16xi32>
          %lt3A_57 = arith.constant 0 : i32
          %lt3A_58 = vector.broadcast %lt3A_57 : i32 to vector<16xi32>
          %lt3A_59 = arith.cmpi slt, %max3A_56, %lt3A_58 : vector<16xi32>
          %add3A_60 = arith.constant 16 : i32
          %add3A_61 = vector.broadcast %add3A_60 : i32 to vector<16xi32>
          %add3A_62 = arith.addi %max3A_56, %add3A_61 : vector<16xi32>
          %select_n3A_63 = arith.select %lt3A_59, %add3A_62, %max3A_56 : vector<16xi1>, vector<16xi32>
          %broadcast_in_dim3A_64 = vector.shape_cast %select_n3A_63 : vector<16xi32> to vector<16x1xi32>
          %gather3A = vector.shape_cast %broadcast_in_dim3A_64 : vector<16x1xi32> to vector<16xi32>
          %gather3A_65 = tpu.dynamic_gather %select_n3A_52[%gather3A] in [0] : vector<16xi32>, vector<16xi32> -> vector<16xi32>
          %ge3A = arith.constant 1 : i32
          %ge3A_66 = vector.broadcast %ge3A : i32 to vector<16xi32>
          %ge3A_67 = arith.cmpi sge, %iota3A, %ge3A_66 : vector<16xi32>
          %jit3A_68 = arith.constant 0 : i32
          %broadcast_in_dim3A_69 = vector.broadcast %jit3A_68 : i32 to vector<16xi32>
          %select_n3A_70 = arith.select %ge3A_67, %gather3A_65, %broadcast_in_dim3A_69 : vector<16xi1>, vector<16xi32>
          %add3A_71 = arith.addi %select_n3A_52, %select_n3A_70 : vector<16xi32>
          %sub3A_72 = arith.constant 2 : i32
          %sub3A_73 = vector.broadcast %sub3A_72 : i32 to vector<16xi32>
          %sub3A_74 = arith.subi %iota3A, %sub3A_73 : vector<16xi32>
          %max3A_75 = arith.constant 0 : i32
          %max3A_76 = vector.broadcast %max3A_75 : i32 to vector<16xi32>
          %max3A_77 = arith.maxsi %sub3A_74, %max3A_76 : vector<16xi32>
          %lt3A_78 = arith.constant 0 : i32
          %lt3A_79 = vector.broadcast %lt3A_78 : i32 to vector<16xi32>
          %lt3A_80 = arith.cmpi slt, %max3A_77, %lt3A_79 : vector<16xi32>
          %add3A_81 = arith.constant 16 : i32
          %add3A_82 = vector.broadcast %add3A_81 : i32 to vector<16xi32>
          %add3A_83 = arith.addi %max3A_77, %add3A_82 : vector<16xi32>
          %select_n3A_84 = arith.select %lt3A_80, %add3A_83, %max3A_77 : vector<16xi1>, vector<16xi32>
          %broadcast_in_dim3A_85 = vector.shape_cast %select_n3A_84 : vector<16xi32> to vector<16x1xi32>
          %gather3A_86 = vector.shape_cast %broadcast_in_dim3A_85 : vector<16x1xi32> to vector<16xi32>
          %gather3A_87 = tpu.dynamic_gather %add3A_71[%gather3A_86] in [0] : vector<16xi32>, vector<16xi32> -> vector<16xi32>
          %ge3A_88 = arith.constant 2 : i32
          %ge3A_89 = vector.broadcast %ge3A_88 : i32 to vector<16xi32>
          %ge3A_90 = arith.cmpi sge, %iota3A, %ge3A_89 : vector<16xi32>
          %jit3A_91 = arith.constant 0 : i32
          %broadcast_in_dim3A_92 = vector.broadcast %jit3A_91 : i32 to vector<16xi32>
          %select_n3A_93 = arith.select %ge3A_90, %gather3A_87, %broadcast_in_dim3A_92 : vector<16xi1>, vector<16xi32>
          %add3A_94 = arith.addi %add3A_71, %select_n3A_93 : vector<16xi32>
          %sub3A_95 = arith.constant 4 : i32
          %sub3A_96 = vector.broadcast %sub3A_95 : i32 to vector<16xi32>
          %sub3A_97 = arith.subi %iota3A, %sub3A_96 : vector<16xi32>
          %max3A_98 = arith.constant 0 : i32
          %max3A_99 = vector.broadcast %max3A_98 : i32 to vector<16xi32>
          %max3A_100 = arith.maxsi %sub3A_97, %max3A_99 : vector<16xi32>
          %lt3A_101 = arith.constant 0 : i32
          %lt3A_102 = vector.broadcast %lt3A_101 : i32 to vector<16xi32>
          %lt3A_103 = arith.cmpi slt, %max3A_100, %lt3A_102 : vector<16xi32>
          %add3A_104 = arith.constant 16 : i32
          %add3A_105 = vector.broadcast %add3A_104 : i32 to vector<16xi32>
          %add3A_106 = arith.addi %max3A_100, %add3A_105 : vector<16xi32>
          %select_n3A_107 = arith.select %lt3A_103, %add3A_106, %max3A_100 : vector<16xi1>, vector<16xi32>
          %broadcast_in_dim3A_108 = vector.shape_cast %select_n3A_107 : vector<16xi32> to vector<16x1xi32>
          %gather3A_109 = vector.shape_cast %broadcast_in_dim3A_108 : vector<16x1xi32> to vector<16xi32>
          %gather3A_110 = tpu.dynamic_gather %add3A_94[%gather3A_109] in [0] : vector<16xi32>, vector<16xi32> -> vector<16xi32>
          %ge3A_111 = arith.constant 4 : i32
          %ge3A_112 = vector.broadcast %ge3A_111 : i32 to vector<16xi32>
          %ge3A_113 = arith.cmpi sge, %iota3A, %ge3A_112 : vector<16xi32>
          %jit3A_114 = arith.constant 0 : i32
          %broadcast_in_dim3A_115 = vector.broadcast %jit3A_114 : i32 to vector<16xi32>
          %select_n3A_116 = arith.select %ge3A_113, %gather3A_110, %broadcast_in_dim3A_115 : vector<16xi1>, vector<16xi32>
          %add3A_117 = arith.addi %add3A_94, %select_n3A_116 : vector<16xi32>
          %sub3A_118 = arith.constant 8 : i32
          %sub3A_119 = vector.broadcast %sub3A_118 : i32 to vector<16xi32>
          %sub3A_120 = arith.subi %iota3A, %sub3A_119 : vector<16xi32>
          %max3A_121 = arith.constant 0 : i32
          %max3A_122 = vector.broadcast %max3A_121 : i32 to vector<16xi32>
          %max3A_123 = arith.maxsi %sub3A_120, %max3A_122 : vector<16xi32>
          %lt3A_124 = arith.constant 0 : i32
          %lt3A_125 = vector.broadcast %lt3A_124 : i32 to vector<16xi32>
          %lt3A_126 = arith.cmpi slt, %max3A_123, %lt3A_125 : vector<16xi32>
          %add3A_127 = arith.constant 16 : i32
          %add3A_128 = vector.broadcast %add3A_127 : i32 to vector<16xi32>
          %add3A_129 = arith.addi %max3A_123, %add3A_128 : vector<16xi32>
          %select_n3A_130 = arith.select %lt3A_126, %add3A_129, %max3A_123 : vector<16xi1>, vector<16xi32>
          %broadcast_in_dim3A_131 = vector.shape_cast %select_n3A_130 : vector<16xi32> to vector<16x1xi32>
          %gather3A_132 = vector.shape_cast %broadcast_in_dim3A_131 : vector<16x1xi32> to vector<16xi32>
          %gather3A_133 = tpu.dynamic_gather %add3A_117[%gather3A_132] in [0] : vector<16xi32>, vector<16xi32> -> vector<16xi32>
          %ge3A_134 = arith.constant 8 : i32
          %ge3A_135 = vector.broadcast %ge3A_134 : i32 to vector<16xi32>
          %ge3A_136 = arith.cmpi sge, %iota3A, %ge3A_135 : vector<16xi32>
          %jit3A_137 = arith.constant 0 : i32
          %broadcast_in_dim3A_138 = vector.broadcast %jit3A_137 : i32 to vector<16xi32>
          %select_n3A_139 = arith.select %ge3A_136, %gather3A_133, %broadcast_in_dim3A_138 : vector<16xi1>, vector<16xi32>
          %add3A_140 = arith.addi %add3A_117, %select_n3A_139 : vector<16xi32>
          %add3A_141 = vector.broadcast %scan3A_29 : i32 to vector<16xi32>
          %add3A_142 = arith.addi %add3A_141, %add3A_140 : vector<16xi32>
          %sub3A_143 = arith.constant 1 : i32
          %sub3A_144 = vector.broadcast %sub3A_143 : i32 to vector<16xi32>
          %sub3A_145 = arith.subi %add3A_142, %sub3A_144 : vector<16xi32>
          %lt3A_146 = arith.constant 384 : i32
          %lt3A_147 = vector.broadcast %lt3A_146 : i32 to vector<16xi32>
          %lt3A_148 = arith.cmpi slt, %sub3A_145, %lt3A_147 : vector<16xi32>
          %and3A = arith.andi %gt3A_34, %lt3A_148 : vector<16xi1>
          tpu.vector_store_idx %arg18[%sub3A_145], %get3A_32 masked %and3A : memref<384xf32, #tpu.memory_space<vmem>>[vector<16xi32>], vector<16xf32>, vector<16xi1>
          %mul3A_149 = arith.constant 16 : i32
          %mul3A_150 = arith.muli %scan3A_28, %mul3A_149 : i32
          %get3A_151 = arith.index_cast %mul3A_150 : i32 to index
          %get3A_152 = tpu.vector_load %arg14[%get3A_151] {strides = array<i32>} : memref<5120xf32, #tpu.memory_space<vmem>>, vector<16xf32>,
          tpu.vector_store_idx %arg19[%sub3A_145], %get3A_152 masked %and3A : memref<384xf32, #tpu.memory_space<vmem>>[vector<16xi32>], vector<16xf32>, vector<16xi1>
          %mul3A_153 = arith.constant 16 : i32
          %mul3A_154 = arith.muli %scan3A_28, %mul3A_153 : i32
          %get3A_155 = arith.index_cast %mul3A_154 : i32 to index
          %get3A_156 = tpu.vector_load %arg15[%get3A_155] {strides = array<i32>} : memref<5120xf32, #tpu.memory_space<vmem>>, vector<16xf32>,
          tpu.vector_store_idx %arg20[%sub3A_145], %get3A_156 masked %and3A : memref<384xf32, #tpu.memory_space<vmem>>[vector<16xi32>], vector<16xf32>, vector<16xi1>
          %mul3A_157 = arith.constant 16 : i32
          %mul3A_158 = arith.muli %scan3A_28, %mul3A_157 : i32
          %get3A_159 = arith.index_cast %mul3A_158 : i32 to index
          %get3A_160 = tpu.vector_load %arg16[%get3A_159] {strides = array<i32>} : memref<5120xf32, #tpu.memory_space<vmem>>, vector<16xf32>,
          tpu.vector_store_idx %arg21[%sub3A_145], %get3A_160 masked %and3A : memref<384xf32, #tpu.memory_space<vmem>>[vector<16xi32>], vector<16xf32>, vector<16xi1>
          %mul3A_161 = arith.constant 16 : i32
          %mul3A_162 = arith.muli %scan3A_28, %mul3A_161 : i32
          %get3A_163 = arith.index_cast %mul3A_162 : i32 to index
          %get3A_164 = tpu.vector_load %arg17[%get3A_163] {strides = array<i32>} : memref<5120xf32, #tpu.memory_space<vmem>>, vector<16xf32>,
          tpu.vector_store_idx %arg22[%sub3A_145], %get3A_164 masked %and3A : memref<384xf32, #tpu.memory_space<vmem>>[vector<16xi32>], vector<16xf32>, vector<16xi1>
        } else {
        }
        %add3A_47 = arith.addi %scan3A_29, %convert_element_type3A_41 : i32
        scf.yield %add3A_47 : i32
      }
      %scan3A_25 = arith.constant 320 : i32
      %broadcast_in_dim3A_26 = vector.broadcast %scan3A_24 : i32 to vector<16xi32>
      %swap3A = arith.constant 0 : index
      %swap3A_27 = tpu.vector_load %arg23[%swap3A] {strides = array<i32>} : memref<16xi32, #tpu.memory_space<vmem>>, vector<16xi32>,
      tpu.vector_store %arg23[%swap3A], %broadcast_in_dim3A_26 {strides = array<i32>} : memref<16xi32, #tpu.memory_space<vmem>>, vector<16xi32>,
      "tpu.region"() ({
        %run_scoped3A = tpu.sem_alloc : memref<!tpu.dma_semaphore, #tpu.memory_space<semaphore_mem>>
        %dma_start3A = arith.constant 0 : i32
        %dma_start3A_28 = tpu.memref_slice %arg12[%add3A_3, %dma_start3A] : memref<80x16xi32, #tpu.memory_space<hbm>> -> memref<1x16xi32, #tpu.memory_space<hbm>>
        %dma_start3A_29 = tpu.memref_squeeze %dma_start3A_28 : memref<1x16xi32, #tpu.memory_space<hbm>> -> memref<16xi32, #tpu.memory_space<hbm>>
        %dma_start3A_30 = arith.constant 0 : i32
        %dma_start3A_31 = tpu.memref_slice %arg12[%add3A_3, %dma_start3A_30] : memref<80x16xi32, #tpu.memory_space<hbm>> -> memref<1x16xi32, #tpu.memory_space<hbm>>
        %dma_start3A_32 = tpu.memref_squeeze %dma_start3A_31 : memref<1x16xi32, #tpu.memory_space<hbm>> -> memref<16xi32, #tpu.memory_space<hbm>>
        tpu.enqueue_dma source(%arg23 : memref<16xi32, #tpu.memory_space<vmem>>) target(%dma_start3A_32 : memref<16xi32, #tpu.memory_space<hbm>>) target_semaphore(%run_scoped3A : memref<!tpu.dma_semaphore, #tpu.memory_space<semaphore_mem>>)
        %dma_wait3A = arith.constant 0 : i32
        %dma_wait3A_33 = tpu.memref_slice %arg12[%add3A_3, %dma_wait3A] : memref<80x16xi32, #tpu.memory_space<hbm>> -> memref<1x16xi32, #tpu.memory_space<hbm>>
        %dma_wait3A_34 = tpu.memref_squeeze %dma_wait3A_33 : memref<1x16xi32, #tpu.memory_space<hbm>> -> memref<16xi32, #tpu.memory_space<hbm>>
        %dma_wait3A_35 = arith.constant 0 : i32
        %dma_wait3A_36 = tpu.memref_slice %arg12[%add3A_3, %dma_wait3A_35] : memref<80x16xi32, #tpu.memory_space<hbm>> -> memref<1x16xi32, #tpu.memory_space<hbm>>
        %dma_wait3A_37 = tpu.memref_squeeze %dma_wait3A_36 : memref<1x16xi32, #tpu.memory_space<hbm>> -> memref<16xi32, #tpu.memory_space<hbm>>
        tpu.wait_dma2 semaphore(%run_scoped3A : memref<!tpu.dma_semaphore, #tpu.memory_space<semaphore_mem>>) src(%arg23 : memref<16xi32, #tpu.memory_space<vmem>>) dst(%dma_wait3A_37 : memref<16xi32, #tpu.memory_space<hbm>>)
        tpu.yield
      }) : () -> ()
      "tpu.region"() ({
        %run_scoped3A = tpu.sem_alloc : memref<!tpu.dma_semaphore, #tpu.memory_space<semaphore_mem>>
        %dma_start3A = arith.constant 0 : i32
        %dma_start3A_28 = tpu.memref_slice %arg7[%add3A_3, %dma_start3A] : memref<80x384xf32, #tpu.memory_space<hbm>> -> memref<1x384xf32, #tpu.memory_space<hbm>>
        %dma_start3A_29 = tpu.memref_squeeze %dma_start3A_28 : memref<1x384xf32, #tpu.memory_space<hbm>> -> memref<384xf32, #tpu.memory_space<hbm>>
        %dma_start3A_30 = arith.constant 0 : i32
        %dma_start3A_31 = tpu.memref_slice %arg7[%add3A_3, %dma_start3A_30] : memref<80x384xf32, #tpu.memory_space<hbm>> -> memref<1x384xf32, #tpu.memory_space<hbm>>
        %dma_start3A_32 = tpu.memref_squeeze %dma_start3A_31 : memref<1x384xf32, #tpu.memory_space<hbm>> -> memref<384xf32, #tpu.memory_space<hbm>>
        tpu.enqueue_dma source(%arg18 : memref<384xf32, #tpu.memory_space<vmem>>) target(%dma_start3A_32 : memref<384xf32, #tpu.memory_space<hbm>>) target_semaphore(%run_scoped3A : memref<!tpu.dma_semaphore, #tpu.memory_space<semaphore_mem>>)
        %dma_wait3A = arith.constant 0 : i32
        %dma_wait3A_33 = tpu.memref_slice %arg7[%add3A_3, %dma_wait3A] : memref<80x384xf32, #tpu.memory_space<hbm>> -> memref<1x384xf32, #tpu.memory_space<hbm>>
        %dma_wait3A_34 = tpu.memref_squeeze %dma_wait3A_33 : memref<1x384xf32, #tpu.memory_space<hbm>> -> memref<384xf32, #tpu.memory_space<hbm>>
        %dma_wait3A_35 = arith.constant 0 : i32
        %dma_wait3A_36 = tpu.memref_slice %arg7[%add3A_3, %dma_wait3A_35] : memref<80x384xf32, #tpu.memory_space<hbm>> -> memref<1x384xf32, #tpu.memory_space<hbm>>
        %dma_wait3A_37 = tpu.memref_squeeze %dma_wait3A_36 : memref<1x384xf32, #tpu.memory_space<hbm>> -> memref<384xf32, #tpu.memory_space<hbm>>
        tpu.wait_dma2 semaphore(%run_scoped3A : memref<!tpu.dma_semaphore, #tpu.memory_space<semaphore_mem>>) src(%arg18 : memref<384xf32, #tpu.memory_space<vmem>>) dst(%dma_wait3A_37 : memref<384xf32, #tpu.memory_space<hbm>>)
        tpu.yield
      }) : () -> ()
      "tpu.region"() ({
        %run_scoped3A = tpu.sem_alloc : memref<!tpu.dma_semaphore, #tpu.memory_space<semaphore_mem>>
        %dma_start3A = arith.constant 0 : i32
        %dma_start3A_28 = tpu.memref_slice %arg8[%add3A_3, %dma_start3A] : memref<80x384xf32, #tpu.memory_space<hbm>> -> memref<1x384xf32, #tpu.memory_space<hbm>>
        %dma_start3A_29 = tpu.memref_squeeze %dma_start3A_28 : memref<1x384xf32, #tpu.memory_space<hbm>> -> memref<384xf32, #tpu.memory_space<hbm>>
        %dma_start3A_30 = arith.constant 0 : i32
        %dma_start3A_31 = tpu.memref_slice %arg8[%add3A_3, %dma_start3A_30] : memref<80x384xf32, #tpu.memory_space<hbm>> -> memref<1x384xf32, #tpu.memory_space<hbm>>
        %dma_start3A_32 = tpu.memref_squeeze %dma_start3A_31 : memref<1x384xf32, #tpu.memory_space<hbm>> -> memref<384xf32, #tpu.memory_space<hbm>>
        tpu.enqueue_dma source(%arg19 : memref<384xf32, #tpu.memory_space<vmem>>) target(%dma_start3A_32 : memref<384xf32, #tpu.memory_space<hbm>>) target_semaphore(%run_scoped3A : memref<!tpu.dma_semaphore, #tpu.memory_space<semaphore_mem>>)
        %dma_wait3A = arith.constant 0 : i32
        %dma_wait3A_33 = tpu.memref_slice %arg8[%add3A_3, %dma_wait3A] : memref<80x384xf32, #tpu.memory_space<hbm>> -> memref<1x384xf32, #tpu.memory_space<hbm>>
        %dma_wait3A_34 = tpu.memref_squeeze %dma_wait3A_33 : memref<1x384xf32, #tpu.memory_space<hbm>> -> memref<384xf32, #tpu.memory_space<hbm>>
        %dma_wait3A_35 = arith.constant 0 : i32
        %dma_wait3A_36 = tpu.memref_slice %arg8[%add3A_3, %dma_wait3A_35] : memref<80x384xf32, #tpu.memory_space<hbm>> -> memref<1x384xf32, #tpu.memory_space<hbm>>
        %dma_wait3A_37 = tpu.memref_squeeze %dma_wait3A_36 : memref<1x384xf32, #tpu.memory_space<hbm>> -> memref<384xf32, #tpu.memory_space<hbm>>
        tpu.wait_dma2 semaphore(%run_scoped3A : memref<!tpu.dma_semaphore, #tpu.memory_space<semaphore_mem>>) src(%arg19 : memref<384xf32, #tpu.memory_space<vmem>>) dst(%dma_wait3A_37 : memref<384xf32, #tpu.memory_space<hbm>>)
        tpu.yield
      }) : () -> ()
      "tpu.region"() ({
        %run_scoped3A = tpu.sem_alloc : memref<!tpu.dma_semaphore, #tpu.memory_space<semaphore_mem>>
        %dma_start3A = arith.constant 0 : i32
        %dma_start3A_28 = tpu.memref_slice %arg9[%add3A_3, %dma_start3A] : memref<80x384xf32, #tpu.memory_space<hbm>> -> memref<1x384xf32, #tpu.memory_space<hbm>>
        %dma_start3A_29 = tpu.memref_squeeze %dma_start3A_28 : memref<1x384xf32, #tpu.memory_space<hbm>> -> memref<384xf32, #tpu.memory_space<hbm>>
        %dma_start3A_30 = arith.constant 0 : i32
        %dma_start3A_31 = tpu.memref_slice %arg9[%add3A_3, %dma_start3A_30] : memref<80x384xf32, #tpu.memory_space<hbm>> -> memref<1x384xf32, #tpu.memory_space<hbm>>
        %dma_start3A_32 = tpu.memref_squeeze %dma_start3A_31 : memref<1x384xf32, #tpu.memory_space<hbm>> -> memref<384xf32, #tpu.memory_space<hbm>>
        tpu.enqueue_dma source(%arg20 : memref<384xf32, #tpu.memory_space<vmem>>) target(%dma_start3A_32 : memref<384xf32, #tpu.memory_space<hbm>>) target_semaphore(%run_scoped3A : memref<!tpu.dma_semaphore, #tpu.memory_space<semaphore_mem>>)
        %dma_wait3A = arith.constant 0 : i32
        %dma_wait3A_33 = tpu.memref_slice %arg9[%add3A_3, %dma_wait3A] : memref<80x384xf32, #tpu.memory_space<hbm>> -> memref<1x384xf32, #tpu.memory_space<hbm>>
        %dma_wait3A_34 = tpu.memref_squeeze %dma_wait3A_33 : memref<1x384xf32, #tpu.memory_space<hbm>> -> memref<384xf32, #tpu.memory_space<hbm>>
        %dma_wait3A_35 = arith.constant 0 : i32
        %dma_wait3A_36 = tpu.memref_slice %arg9[%add3A_3, %dma_wait3A_35] : memref<80x384xf32, #tpu.memory_space<hbm>> -> memref<1x384xf32, #tpu.memory_space<hbm>>
        %dma_wait3A_37 = tpu.memref_squeeze %dma_wait3A_36 : memref<1x384xf32, #tpu.memory_space<hbm>> -> memref<384xf32, #tpu.memory_space<hbm>>
        tpu.wait_dma2 semaphore(%run_scoped3A : memref<!tpu.dma_semaphore, #tpu.memory_space<semaphore_mem>>) src(%arg20 : memref<384xf32, #tpu.memory_space<vmem>>) dst(%dma_wait3A_37 : memref<384xf32, #tpu.memory_space<hbm>>)
        tpu.yield
      }) : () -> ()
      "tpu.region"() ({
        %run_scoped3A = tpu.sem_alloc : memref<!tpu.dma_semaphore, #tpu.memory_space<semaphore_mem>>
        %dma_start3A = arith.constant 0 : i32
        %dma_start3A_28 = tpu.memref_slice %arg10[%add3A_3, %dma_start3A] : memref<80x384xf32, #tpu.memory_space<hbm>> -> memref<1x384xf32, #tpu.memory_space<hbm>>
        %dma_start3A_29 = tpu.memref_squeeze %dma_start3A_28 : memref<1x384xf32, #tpu.memory_space<hbm>> -> memref<384xf32, #tpu.memory_space<hbm>>
        %dma_start3A_30 = arith.constant 0 : i32
        %dma_start3A_31 = tpu.memref_slice %arg10[%add3A_3, %dma_start3A_30] : memref<80x384xf32, #tpu.memory_space<hbm>> -> memref<1x384xf32, #tpu.memory_space<hbm>>
        %dma_start3A_32 = tpu.memref_squeeze %dma_start3A_31 : memref<1x384xf32, #tpu.memory_space<hbm>> -> memref<384xf32, #tpu.memory_space<hbm>>
        tpu.enqueue_dma source(%arg21 : memref<384xf32, #tpu.memory_space<vmem>>) target(%dma_start3A_32 : memref<384xf32, #tpu.memory_space<hbm>>) target_semaphore(%run_scoped3A : memref<!tpu.dma_semaphore, #tpu.memory_space<semaphore_mem>>)
        %dma_wait3A = arith.constant 0 : i32
        %dma_wait3A_33 = tpu.memref_slice %arg10[%add3A_3, %dma_wait3A] : memref<80x384xf32, #tpu.memory_space<hbm>> -> memref<1x384xf32, #tpu.memory_space<hbm>>
        %dma_wait3A_34 = tpu.memref_squeeze %dma_wait3A_33 : memref<1x384xf32, #tpu.memory_space<hbm>> -> memref<384xf32, #tpu.memory_space<hbm>>
        %dma_wait3A_35 = arith.constant 0 : i32
        %dma_wait3A_36 = tpu.memref_slice %arg10[%add3A_3, %dma_wait3A_35] : memref<80x384xf32, #tpu.memory_space<hbm>> -> memref<1x384xf32, #tpu.memory_space<hbm>>
        %dma_wait3A_37 = tpu.memref_squeeze %dma_wait3A_36 : memref<1x384xf32, #tpu.memory_space<hbm>> -> memref<384xf32, #tpu.memory_space<hbm>>
        tpu.wait_dma2 semaphore(%run_scoped3A : memref<!tpu.dma_semaphore, #tpu.memory_space<semaphore_mem>>) src(%arg21 : memref<384xf32, #tpu.memory_space<vmem>>) dst(%dma_wait3A_37 : memref<384xf32, #tpu.memory_space<hbm>>)
        tpu.yield
      }) : () -> ()
      "tpu.region"() ({
        %run_scoped3A = tpu.sem_alloc : memref<!tpu.dma_semaphore, #tpu.memory_space<semaphore_mem>>
        %dma_start3A = arith.constant 0 : i32
        %dma_start3A_28 = tpu.memref_slice %arg11[%add3A_3, %dma_start3A] : memref<80x384xf32, #tpu.memory_space<hbm>> -> memref<1x384xf32, #tpu.memory_space<hbm>>
        %dma_start3A_29 = tpu.memref_squeeze %dma_start3A_28 : memref<1x384xf32, #tpu.memory_space<hbm>> -> memref<384xf32, #tpu.memory_space<hbm>>
        %dma_start3A_30 = arith.constant 0 : i32
        %dma_start3A_31 = tpu.memref_slice %arg11[%add3A_3, %dma_start3A_30] : memref<80x384xf32, #tpu.memory_space<hbm>> -> memref<1x384xf32, #tpu.memory_space<hbm>>
        %dma_start3A_32 = tpu.memref_squeeze %dma_start3A_31 : memref<1x384xf32, #tpu.memory_space<hbm>> -> memref<384xf32, #tpu.memory_space<hbm>>
        tpu.enqueue_dma source(%arg22 : memref<384xf32, #tpu.memory_space<vmem>>) target(%dma_start3A_32 : memref<384xf32, #tpu.memory_space<hbm>>) target_semaphore(%run_scoped3A : memref<!tpu.dma_semaphore, #tpu.memory_space<semaphore_mem>>)
        %dma_wait3A = arith.constant 0 : i32
        %dma_wait3A_33 = tpu.memref_slice %arg11[%add3A_3, %dma_wait3A] : memref<80x384xf32, #tpu.memory_space<hbm>> -> memref<1x384xf32, #tpu.memory_space<hbm>>
        %dma_wait3A_34 = tpu.memref_squeeze %dma_wait3A_33 : memref<1x384xf32, #tpu.memory_space<hbm>> -> memref<384xf32, #tpu.memory_space<hbm>>
        %dma_wait3A_35 = arith.constant 0 : i32
        %dma_wait3A_36 = tpu.memref_slice %arg11[%add3A_3, %dma_wait3A_35] : memref<80x384xf32, #tpu.memory_space<hbm>> -> memref<1x384xf32, #tpu.memory_space<hbm>>
        %dma_wait3A_37 = tpu.memref_squeeze %dma_wait3A_36 : memref<1x384xf32, #tpu.memory_space<hbm>> -> memref<384xf32, #tpu.memory_space<hbm>>
        tpu.wait_dma2 semaphore(%run_scoped3A : memref<!tpu.dma_semaphore, #tpu.memory_space<semaphore_mem>>) src(%arg22 : memref<384xf32, #tpu.memory_space<vmem>>) dst(%dma_wait3A_37 : memref<384xf32, #tpu.memory_space<hbm>>)
        tpu.yield
      }) : () -> ()
    } else {
    }
    %add3A_6 = arith.constant 32 : i32
    %add3A_7 = arith.addi %add3A, %add3A_6 : i32
    %lt3A_8 = arith.constant 80 : i32
    %lt3A_9 = arith.cmpi slt, %add3A_7, %lt3A_8 : i32
    %convert_element_type3A_10 = arith.extui %lt3A_9 : i1 to i32
    %cond3A_11 = arith.constant 0 : i32
    %cond3A_12 = arith.cmpi ne, %convert_element_type3A_10, %cond3A_11 : i32
    scf.if %cond3A_12 {
      "tpu.region"() ({
        %run_scoped3A = tpu.sem_alloc : memref<!tpu.dma_semaphore, #tpu.memory_space<semaphore_mem>>
        %dma_start3A = arith.constant 0 : i32
        %dma_start3A_28 = tpu.memref_slice %arg2[%add3A_7, %dma_start3A] : memref<80x5120xf32, #tpu.memory_space<hbm>> -> memref<1x5120xf32, #tpu.memory_space<hbm>>
        %dma_start3A_29 = tpu.memref_squeeze %dma_start3A_28 : memref<1x5120xf32, #tpu.memory_space<hbm>> -> memref<5120xf32, #tpu.memory_space<hbm>>
        %dma_start3A_30 = arith.constant 0 : i32
        %dma_start3A_31 = tpu.memref_slice %arg2[%add3A_7, %dma_start3A_30] : memref<80x5120xf32, #tpu.memory_space<hbm>> -> memref<1x5120xf32, #tpu.memory_space<hbm>>
        %dma_start3A_32 = tpu.memref_squeeze %dma_start3A_31 : memref<1x5120xf32, #tpu.memory_space<hbm>> -> memref<5120xf32, #tpu.memory_space<hbm>>
        tpu.enqueue_dma source(%dma_start3A_32 : memref<5120xf32, #tpu.memory_space<hbm>>) target(%arg13 : memref<5120xf32, #tpu.memory_space<vmem>>) target_semaphore(%run_scoped3A : memref<!tpu.dma_semaphore, #tpu.memory_space<semaphore_mem>>)
        %dma_wait3A = arith.constant 0 : i32
        %dma_wait3A_33 = tpu.memref_slice %arg2[%add3A_7, %dma_wait3A] : memref<80x5120xf32, #tpu.memory_space<hbm>> -> memref<1x5120xf32, #tpu.memory_space<hbm>>
        %dma_wait3A_34 = tpu.memref_squeeze %dma_wait3A_33 : memref<1x5120xf32, #tpu.memory_space<hbm>> -> memref<5120xf32, #tpu.memory_space<hbm>>
        %dma_wait3A_35 = arith.constant 0 : i32
        %dma_wait3A_36 = tpu.memref_slice %arg2[%add3A_7, %dma_wait3A_35] : memref<80x5120xf32, #tpu.memory_space<hbm>> -> memref<1x5120xf32, #tpu.memory_space<hbm>>
        %dma_wait3A_37 = tpu.memref_squeeze %dma_wait3A_36 : memref<1x5120xf32, #tpu.memory_space<hbm>> -> memref<5120xf32, #tpu.memory_space<hbm>>
        tpu.wait_dma2 semaphore(%run_scoped3A : memref<!tpu.dma_semaphore, #tpu.memory_space<semaphore_mem>>) src(%dma_wait3A_37 : memref<5120xf32, #tpu.memory_space<hbm>>) dst(%arg13 : memref<5120xf32, #tpu.memory_space<vmem>>)
        tpu.yield
      }) : () -> ()
      "tpu.region"() ({
        %run_scoped3A = tpu.sem_alloc : memref<!tpu.dma_semaphore, #tpu.memory_space<semaphore_mem>>
        %dma_start3A = arith.constant 0 : i32
        %dma_start3A_28 = tpu.memref_slice %arg3[%add3A_7, %dma_start3A] : memref<80x5120xf32, #tpu.memory_space<hbm>> -> memref<1x5120xf32, #tpu.memory_space<hbm>>
        %dma_start3A_29 = tpu.memref_squeeze %dma_start3A_28 : memref<1x5120xf32, #tpu.memory_space<hbm>> -> memref<5120xf32, #tpu.memory_space<hbm>>
        %dma_start3A_30 = arith.constant 0 : i32
        %dma_start3A_31 = tpu.memref_slice %arg3[%add3A_7, %dma_start3A_30] : memref<80x5120xf32, #tpu.memory_space<hbm>> -> memref<1x5120xf32, #tpu.memory_space<hbm>>
        %dma_start3A_32 = tpu.memref_squeeze %dma_start3A_31 : memref<1x5120xf32, #tpu.memory_space<hbm>> -> memref<5120xf32, #tpu.memory_space<hbm>>
        tpu.enqueue_dma source(%dma_start3A_32 : memref<5120xf32, #tpu.memory_space<hbm>>) target(%arg14 : memref<5120xf32, #tpu.memory_space<vmem>>) target_semaphore(%run_scoped3A : memref<!tpu.dma_semaphore, #tpu.memory_space<semaphore_mem>>)
        %dma_wait3A = arith.constant 0 : i32
        %dma_wait3A_33 = tpu.memref_slice %arg3[%add3A_7, %dma_wait3A] : memref<80x5120xf32, #tpu.memory_space<hbm>> -> memref<1x5120xf32, #tpu.memory_space<hbm>>
        %dma_wait3A_34 = tpu.memref_squeeze %dma_wait3A_33 : memref<1x5120xf32, #tpu.memory_space<hbm>> -> memref<5120xf32, #tpu.memory_space<hbm>>
        %dma_wait3A_35 = arith.constant 0 : i32
        %dma_wait3A_36 = tpu.memref_slice %arg3[%add3A_7, %dma_wait3A_35] : memref<80x5120xf32, #tpu.memory_space<hbm>> -> memref<1x5120xf32, #tpu.memory_space<hbm>>
        %dma_wait3A_37 = tpu.memref_squeeze %dma_wait3A_36 : memref<1x5120xf32, #tpu.memory_space<hbm>> -> memref<5120xf32, #tpu.memory_space<hbm>>
        tpu.wait_dma2 semaphore(%run_scoped3A : memref<!tpu.dma_semaphore, #tpu.memory_space<semaphore_mem>>) src(%dma_wait3A_37 : memref<5120xf32, #tpu.memory_space<hbm>>) dst(%arg14 : memref<5120xf32, #tpu.memory_space<vmem>>)
        tpu.yield
      }) : () -> ()
      "tpu.region"() ({
        %run_scoped3A = tpu.sem_alloc : memref<!tpu.dma_semaphore, #tpu.memory_space<semaphore_mem>>
        %dma_start3A = arith.constant 0 : i32
        %dma_start3A_28 = tpu.memref_slice %arg4[%add3A_7, %dma_start3A] : memref<80x5120xf32, #tpu.memory_space<hbm>> -> memref<1x5120xf32, #tpu.memory_space<hbm>>
        %dma_start3A_29 = tpu.memref_squeeze %dma_start3A_28 : memref<1x5120xf32, #tpu.memory_space<hbm>> -> memref<5120xf32, #tpu.memory_space<hbm>>
        %dma_start3A_30 = arith.constant 0 : i32
        %dma_start3A_31 = tpu.memref_slice %arg4[%add3A_7, %dma_start3A_30] : memref<80x5120xf32, #tpu.memory_space<hbm>> -> memref<1x5120xf32, #tpu.memory_space<hbm>>
        %dma_start3A_32 = tpu.memref_squeeze %dma_start3A_31 : memref<1x5120xf32, #tpu.memory_space<hbm>> -> memref<5120xf32, #tpu.memory_space<hbm>>
        tpu.enqueue_dma source(%dma_start3A_32 : memref<5120xf32, #tpu.memory_space<hbm>>) target(%arg15 : memref<5120xf32, #tpu.memory_space<vmem>>) target_semaphore(%run_scoped3A : memref<!tpu.dma_semaphore, #tpu.memory_space<semaphore_mem>>)
        %dma_wait3A = arith.constant 0 : i32
        %dma_wait3A_33 = tpu.memref_slice %arg4[%add3A_7, %dma_wait3A] : memref<80x5120xf32, #tpu.memory_space<hbm>> -> memref<1x5120xf32, #tpu.memory_space<hbm>>
        %dma_wait3A_34 = tpu.memref_squeeze %dma_wait3A_33 : memref<1x5120xf32, #tpu.memory_space<hbm>> -> memref<5120xf32, #tpu.memory_space<hbm>>
        %dma_wait3A_35 = arith.constant 0 : i32
        %dma_wait3A_36 = tpu.memref_slice %arg4[%add3A_7, %dma_wait3A_35] : memref<80x5120xf32, #tpu.memory_space<hbm>> -> memref<1x5120xf32, #tpu.memory_space<hbm>>
        %dma_wait3A_37 = tpu.memref_squeeze %dma_wait3A_36 : memref<1x5120xf32, #tpu.memory_space<hbm>> -> memref<5120xf32, #tpu.memory_space<hbm>>
        tpu.wait_dma2 semaphore(%run_scoped3A : memref<!tpu.dma_semaphore, #tpu.memory_space<semaphore_mem>>) src(%dma_wait3A_37 : memref<5120xf32, #tpu.memory_space<hbm>>) dst(%arg15 : memref<5120xf32, #tpu.memory_space<vmem>>)
        tpu.yield
      }) : () -> ()
      "tpu.region"() ({
        %run_scoped3A = tpu.sem_alloc : memref<!tpu.dma_semaphore, #tpu.memory_space<semaphore_mem>>
        %dma_start3A = arith.constant 0 : i32
        %dma_start3A_28 = tpu.memref_slice %arg5[%add3A_7, %dma_start3A] : memref<80x5120xf32, #tpu.memory_space<hbm>> -> memref<1x5120xf32, #tpu.memory_space<hbm>>
        %dma_start3A_29 = tpu.memref_squeeze %dma_start3A_28 : memref<1x5120xf32, #tpu.memory_space<hbm>> -> memref<5120xf32, #tpu.memory_space<hbm>>
        %dma_start3A_30 = arith.constant 0 : i32
        %dma_start3A_31 = tpu.memref_slice %arg5[%add3A_7, %dma_start3A_30] : memref<80x5120xf32, #tpu.memory_space<hbm>> -> memref<1x5120xf32, #tpu.memory_space<hbm>>
        %dma_start3A_32 = tpu.memref_squeeze %dma_start3A_31 : memref<1x5120xf32, #tpu.memory_space<hbm>> -> memref<5120xf32, #tpu.memory_space<hbm>>
        tpu.enqueue_dma source(%dma_start3A_32 : memref<5120xf32, #tpu.memory_space<hbm>>) target(%arg16 : memref<5120xf32, #tpu.memory_space<vmem>>) target_semaphore(%run_scoped3A : memref<!tpu.dma_semaphore, #tpu.memory_space<semaphore_mem>>)
        %dma_wait3A = arith.constant 0 : i32
        %dma_wait3A_33 = tpu.memref_slice %arg5[%add3A_7, %dma_wait3A] : memref<80x5120xf32, #tpu.memory_space<hbm>> -> memref<1x5120xf32, #tpu.memory_space<hbm>>
        %dma_wait3A_34 = tpu.memref_squeeze %dma_wait3A_33 : memref<1x5120xf32, #tpu.memory_space<hbm>> -> memref<5120xf32, #tpu.memory_space<hbm>>
        %dma_wait3A_35 = arith.constant 0 : i32
        %dma_wait3A_36 = tpu.memref_slice %arg5[%add3A_7, %dma_wait3A_35] : memref<80x5120xf32, #tpu.memory_space<hbm>> -> memref<1x5120xf32, #tpu.memory_space<hbm>>
        %dma_wait3A_37 = tpu.memref_squeeze %dma_wait3A_36 : memref<1x5120xf32, #tpu.memory_space<hbm>> -> memref<5120xf32, #tpu.memory_space<hbm>>
        tpu.wait_dma2 semaphore(%run_scoped3A : memref<!tpu.dma_semaphore, #tpu.memory_space<semaphore_mem>>) src(%dma_wait3A_37 : memref<5120xf32, #tpu.memory_space<hbm>>) dst(%arg16 : memref<5120xf32, #tpu.memory_space<vmem>>)
        tpu.yield
      }) : () -> ()
      "tpu.region"() ({
        %run_scoped3A = tpu.sem_alloc : memref<!tpu.dma_semaphore, #tpu.memory_space<semaphore_mem>>
        %dma_start3A = arith.constant 0 : i32
        %dma_start3A_28 = tpu.memref_slice %arg6[%add3A_7, %dma_start3A] : memref<80x5120xf32, #tpu.memory_space<hbm>> -> memref<1x5120xf32, #tpu.memory_space<hbm>>
        %dma_start3A_29 = tpu.memref_squeeze %dma_start3A_28 : memref<1x5120xf32, #tpu.memory_space<hbm>> -> memref<5120xf32, #tpu.memory_space<hbm>>
        %dma_start3A_30 = arith.constant 0 : i32
        %dma_start3A_31 = tpu.memref_slice %arg6[%add3A_7, %dma_start3A_30] : memref<80x5120xf32, #tpu.memory_space<hbm>> -> memref<1x5120xf32, #tpu.memory_space<hbm>>
        %dma_start3A_32 = tpu.memref_squeeze %dma_start3A_31 : memref<1x5120xf32, #tpu.memory_space<hbm>> -> memref<5120xf32, #tpu.memory_space<hbm>>
        tpu.enqueue_dma source(%dma_start3A_32 : memref<5120xf32, #tpu.memory_space<hbm>>) target(%arg17 : memref<5120xf32, #tpu.memory_space<vmem>>) target_semaphore(%run_scoped3A : memref<!tpu.dma_semaphore, #tpu.memory_space<semaphore_mem>>)
        %dma_wait3A = arith.constant 0 : i32
        %dma_wait3A_33 = tpu.memref_slice %arg6[%add3A_7, %dma_wait3A] : memref<80x5120xf32, #tpu.memory_space<hbm>> -> memref<1x5120xf32, #tpu.memory_space<hbm>>
        %dma_wait3A_34 = tpu.memref_squeeze %dma_wait3A_33 : memref<1x5120xf32, #tpu.memory_space<hbm>> -> memref<5120xf32, #tpu.memory_space<hbm>>
        %dma_wait3A_35 = arith.constant 0 : i32
        %dma_wait3A_36 = tpu.memref_slice %arg6[%add3A_7, %dma_wait3A_35] : memref<80x5120xf32, #tpu.memory_space<hbm>> -> memref<1x5120xf32, #tpu.memory_space<hbm>>
        %dma_wait3A_37 = tpu.memref_squeeze %dma_wait3A_36 : memref<1x5120xf32, #tpu.memory_space<hbm>> -> memref<5120xf32, #tpu.memory_space<hbm>>
        tpu.wait_dma2 semaphore(%run_scoped3A : memref<!tpu.dma_semaphore, #tpu.memory_space<semaphore_mem>>) src(%dma_wait3A_37 : memref<5120xf32, #tpu.memory_space<hbm>>) dst(%arg17 : memref<5120xf32, #tpu.memory_space<vmem>>)
        tpu.yield
      }) : () -> ()
      %scan3A = arith.constant 0 : i32
      %scan3A_20 = arith.constant 0 : i32
      %scan3A_21 = arith.constant 320 : i32
      %scan3A_22 = arith.addi %scan3A_20, %scan3A_21 : i32
      %scan3A_23 = arith.constant 1 : i32
      %scan3A_24 = scf.for %scan3A_28 = %scan3A_20 to %scan3A_22 step %scan3A_23 iter_args(%scan3A_29 = %scan3A) -> (i32)  : i32 {
        %mul3A_30 = arith.constant 16 : i32
        %mul3A_31 = arith.muli %scan3A_28, %mul3A_30 : i32
        %get3A = arith.index_cast %mul3A_31 : i32 to index
        %get3A_32 = tpu.vector_load %arg13[%get3A] {strides = array<i32>} : memref<5120xf32, #tpu.memory_space<vmem>>, vector<16xf32>,
        %gt3A = arith.constant 0.000000e+00 : f32
        %gt3A_33 = vector.broadcast %gt3A : f32 to vector<16xf32>
        %gt3A_34 = arith.cmpf ogt, %get3A_32, %gt3A_33 : vector<16xf32>
        %jit3A = arith.constant 1.000000e+00 : f32
        %jit3A_35 = arith.constant 0.000000e+00 : f32
        %broadcast_in_dim3A_36 = vector.broadcast %jit3A : f32 to vector<16xf32>
        %broadcast_in_dim3A_37 = vector.broadcast %jit3A_35 : f32 to vector<16xf32>
        %select_n3A = arith.select %gt3A_34, %broadcast_in_dim3A_36, %broadcast_in_dim3A_37 : vector<16xi1>, vector<16xf32>
        %reduce_sum3A = arith.constant true
        %reduce_sum3A_38 = vector.broadcast %reduce_sum3A : i1 to vector<16xi1>
        %reduce_sum3A_39 = tpu.scan <sum>, %select_n3A masked %reduce_sum3A_38 : vector<16xf32>, vector<16xi1> -> vector<16xf32>
        %reduce_sum3A_40 = vector.extract %reduce_sum3A_39[15] : f32 from vector<16xf32>
        %convert_element_type3A_41 = arith.fptosi %reduce_sum3A_40 : f32 to i32
        %gt3A_42 = arith.constant 0 : i32
        %gt3A_43 = arith.cmpi sgt, %convert_element_type3A_41, %gt3A_42 : i32
        %convert_element_type3A_44 = arith.extui %gt3A_43 : i1 to i32
        %cond3A_45 = arith.constant 0 : i32
        %cond3A_46 = arith.cmpi ne, %convert_element_type3A_44, %cond3A_45 : i32
        scf.if %cond3A_46 {
          %jit3A_48 = arith.constant 1 : i32
          %jit3A_49 = arith.constant 0 : i32
          %broadcast_in_dim3A_50 = vector.broadcast %jit3A_48 : i32 to vector<16xi32>
          %broadcast_in_dim3A_51 = vector.broadcast %jit3A_49 : i32 to vector<16xi32>
          %select_n3A_52 = arith.select %gt3A_34, %broadcast_in_dim3A_50, %broadcast_in_dim3A_51 : vector<16xi1>, vector<16xi32>
          %sub3A = arith.constant 1 : i32
          %sub3A_53 = vector.broadcast %sub3A : i32 to vector<16xi32>
          %sub3A_54 = arith.subi %iota3A, %sub3A_53 : vector<16xi32>
          %max3A = arith.constant 0 : i32
          %max3A_55 = vector.broadcast %max3A : i32 to vector<16xi32>
          %max3A_56 = arith.maxsi %sub3A_54, %max3A_55 : vector<16xi32>
          %lt3A_57 = arith.constant 0 : i32
          %lt3A_58 = vector.broadcast %lt3A_57 : i32 to vector<16xi32>
          %lt3A_59 = arith.cmpi slt, %max3A_56, %lt3A_58 : vector<16xi32>
          %add3A_60 = arith.constant 16 : i32
          %add3A_61 = vector.broadcast %add3A_60 : i32 to vector<16xi32>
          %add3A_62 = arith.addi %max3A_56, %add3A_61 : vector<16xi32>
          %select_n3A_63 = arith.select %lt3A_59, %add3A_62, %max3A_56 : vector<16xi1>, vector<16xi32>
          %broadcast_in_dim3A_64 = vector.shape_cast %select_n3A_63 : vector<16xi32> to vector<16x1xi32>
          %gather3A = vector.shape_cast %broadcast_in_dim3A_64 : vector<16x1xi32> to vector<16xi32>
          %gather3A_65 = tpu.dynamic_gather %select_n3A_52[%gather3A] in [0] : vector<16xi32>, vector<16xi32> -> vector<16xi32>
          %ge3A = arith.constant 1 : i32
          %ge3A_66 = vector.broadcast %ge3A : i32 to vector<16xi32>
          %ge3A_67 = arith.cmpi sge, %iota3A, %ge3A_66 : vector<16xi32>
          %jit3A_68 = arith.constant 0 : i32
          %broadcast_in_dim3A_69 = vector.broadcast %jit3A_68 : i32 to vector<16xi32>
          %select_n3A_70 = arith.select %ge3A_67, %gather3A_65, %broadcast_in_dim3A_69 : vector<16xi1>, vector<16xi32>
          %add3A_71 = arith.addi %select_n3A_52, %select_n3A_70 : vector<16xi32>
          %sub3A_72 = arith.constant 2 : i32
          %sub3A_73 = vector.broadcast %sub3A_72 : i32 to vector<16xi32>
          %sub3A_74 = arith.subi %iota3A, %sub3A_73 : vector<16xi32>
          %max3A_75 = arith.constant 0 : i32
          %max3A_76 = vector.broadcast %max3A_75 : i32 to vector<16xi32>
          %max3A_77 = arith.maxsi %sub3A_74, %max3A_76 : vector<16xi32>
          %lt3A_78 = arith.constant 0 : i32
          %lt3A_79 = vector.broadcast %lt3A_78 : i32 to vector<16xi32>
          %lt3A_80 = arith.cmpi slt, %max3A_77, %lt3A_79 : vector<16xi32>
          %add3A_81 = arith.constant 16 : i32
          %add3A_82 = vector.broadcast %add3A_81 : i32 to vector<16xi32>
          %add3A_83 = arith.addi %max3A_77, %add3A_82 : vector<16xi32>
          %select_n3A_84 = arith.select %lt3A_80, %add3A_83, %max3A_77 : vector<16xi1>, vector<16xi32>
          %broadcast_in_dim3A_85 = vector.shape_cast %select_n3A_84 : vector<16xi32> to vector<16x1xi32>
          %gather3A_86 = vector.shape_cast %broadcast_in_dim3A_85 : vector<16x1xi32> to vector<16xi32>
          %gather3A_87 = tpu.dynamic_gather %add3A_71[%gather3A_86] in [0] : vector<16xi32>, vector<16xi32> -> vector<16xi32>
          %ge3A_88 = arith.constant 2 : i32
          %ge3A_89 = vector.broadcast %ge3A_88 : i32 to vector<16xi32>
          %ge3A_90 = arith.cmpi sge, %iota3A, %ge3A_89 : vector<16xi32>
          %jit3A_91 = arith.constant 0 : i32
          %broadcast_in_dim3A_92 = vector.broadcast %jit3A_91 : i32 to vector<16xi32>
          %select_n3A_93 = arith.select %ge3A_90, %gather3A_87, %broadcast_in_dim3A_92 : vector<16xi1>, vector<16xi32>
          %add3A_94 = arith.addi %add3A_71, %select_n3A_93 : vector<16xi32>
          %sub3A_95 = arith.constant 4 : i32
          %sub3A_96 = vector.broadcast %sub3A_95 : i32 to vector<16xi32>
          %sub3A_97 = arith.subi %iota3A, %sub3A_96 : vector<16xi32>
          %max3A_98 = arith.constant 0 : i32
          %max3A_99 = vector.broadcast %max3A_98 : i32 to vector<16xi32>
          %max3A_100 = arith.maxsi %sub3A_97, %max3A_99 : vector<16xi32>
          %lt3A_101 = arith.constant 0 : i32
          %lt3A_102 = vector.broadcast %lt3A_101 : i32 to vector<16xi32>
          %lt3A_103 = arith.cmpi slt, %max3A_100, %lt3A_102 : vector<16xi32>
          %add3A_104 = arith.constant 16 : i32
          %add3A_105 = vector.broadcast %add3A_104 : i32 to vector<16xi32>
          %add3A_106 = arith.addi %max3A_100, %add3A_105 : vector<16xi32>
          %select_n3A_107 = arith.select %lt3A_103, %add3A_106, %max3A_100 : vector<16xi1>, vector<16xi32>
          %broadcast_in_dim3A_108 = vector.shape_cast %select_n3A_107 : vector<16xi32> to vector<16x1xi32>
          %gather3A_109 = vector.shape_cast %broadcast_in_dim3A_108 : vector<16x1xi32> to vector<16xi32>
          %gather3A_110 = tpu.dynamic_gather %add3A_94[%gather3A_109] in [0] : vector<16xi32>, vector<16xi32> -> vector<16xi32>
          %ge3A_111 = arith.constant 4 : i32
          %ge3A_112 = vector.broadcast %ge3A_111 : i32 to vector<16xi32>
          %ge3A_113 = arith.cmpi sge, %iota3A, %ge3A_112 : vector<16xi32>
          %jit3A_114 = arith.constant 0 : i32
          %broadcast_in_dim3A_115 = vector.broadcast %jit3A_114 : i32 to vector<16xi32>
          %select_n3A_116 = arith.select %ge3A_113, %gather3A_110, %broadcast_in_dim3A_115 : vector<16xi1>, vector<16xi32>
          %add3A_117 = arith.addi %add3A_94, %select_n3A_116 : vector<16xi32>
          %sub3A_118 = arith.constant 8 : i32
          %sub3A_119 = vector.broadcast %sub3A_118 : i32 to vector<16xi32>
          %sub3A_120 = arith.subi %iota3A, %sub3A_119 : vector<16xi32>
          %max3A_121 = arith.constant 0 : i32
          %max3A_122 = vector.broadcast %max3A_121 : i32 to vector<16xi32>
          %max3A_123 = arith.maxsi %sub3A_120, %max3A_122 : vector<16xi32>
          %lt3A_124 = arith.constant 0 : i32
          %lt3A_125 = vector.broadcast %lt3A_124 : i32 to vector<16xi32>
          %lt3A_126 = arith.cmpi slt, %max3A_123, %lt3A_125 : vector<16xi32>
          %add3A_127 = arith.constant 16 : i32
          %add3A_128 = vector.broadcast %add3A_127 : i32 to vector<16xi32>
          %add3A_129 = arith.addi %max3A_123, %add3A_128 : vector<16xi32>
          %select_n3A_130 = arith.select %lt3A_126, %add3A_129, %max3A_123 : vector<16xi1>, vector<16xi32>
          %broadcast_in_dim3A_131 = vector.shape_cast %select_n3A_130 : vector<16xi32> to vector<16x1xi32>
          %gather3A_132 = vector.shape_cast %broadcast_in_dim3A_131 : vector<16x1xi32> to vector<16xi32>
          %gather3A_133 = tpu.dynamic_gather %add3A_117[%gather3A_132] in [0] : vector<16xi32>, vector<16xi32> -> vector<16xi32>
          %ge3A_134 = arith.constant 8 : i32
          %ge3A_135 = vector.broadcast %ge3A_134 : i32 to vector<16xi32>
          %ge3A_136 = arith.cmpi sge, %iota3A, %ge3A_135 : vector<16xi32>
          %jit3A_137 = arith.constant 0 : i32
          %broadcast_in_dim3A_138 = vector.broadcast %jit3A_137 : i32 to vector<16xi32>
          %select_n3A_139 = arith.select %ge3A_136, %gather3A_133, %broadcast_in_dim3A_138 : vector<16xi1>, vector<16xi32>
          %add3A_140 = arith.addi %add3A_117, %select_n3A_139 : vector<16xi32>
          %add3A_141 = vector.broadcast %scan3A_29 : i32 to vector<16xi32>
          %add3A_142 = arith.addi %add3A_141, %add3A_140 : vector<16xi32>
          %sub3A_143 = arith.constant 1 : i32
          %sub3A_144 = vector.broadcast %sub3A_143 : i32 to vector<16xi32>
          %sub3A_145 = arith.subi %add3A_142, %sub3A_144 : vector<16xi32>
          %lt3A_146 = arith.constant 384 : i32
          %lt3A_147 = vector.broadcast %lt3A_146 : i32 to vector<16xi32>
          %lt3A_148 = arith.cmpi slt, %sub3A_145, %lt3A_147 : vector<16xi32>
          %and3A = arith.andi %gt3A_34, %lt3A_148 : vector<16xi1>
          tpu.vector_store_idx %arg18[%sub3A_145], %get3A_32 masked %and3A : memref<384xf32, #tpu.memory_space<vmem>>[vector<16xi32>], vector<16xf32>, vector<16xi1>
          %mul3A_149 = arith.constant 16 : i32
          %mul3A_150 = arith.muli %scan3A_28, %mul3A_149 : i32
          %get3A_151 = arith.index_cast %mul3A_150 : i32 to index
          %get3A_152 = tpu.vector_load %arg14[%get3A_151] {strides = array<i32>} : memref<5120xf32, #tpu.memory_space<vmem>>, vector<16xf32>,
          tpu.vector_store_idx %arg19[%sub3A_145], %get3A_152 masked %and3A : memref<384xf32, #tpu.memory_space<vmem>>[vector<16xi32>], vector<16xf32>, vector<16xi1>
          %mul3A_153 = arith.constant 16 : i32
          %mul3A_154 = arith.muli %scan3A_28, %mul3A_153 : i32
          %get3A_155 = arith.index_cast %mul3A_154 : i32 to index
          %get3A_156 = tpu.vector_load %arg15[%get3A_155] {strides = array<i32>} : memref<5120xf32, #tpu.memory_space<vmem>>, vector<16xf32>,
          tpu.vector_store_idx %arg20[%sub3A_145], %get3A_156 masked %and3A : memref<384xf32, #tpu.memory_space<vmem>>[vector<16xi32>], vector<16xf32>, vector<16xi1>
          %mul3A_157 = arith.constant 16 : i32
          %mul3A_158 = arith.muli %scan3A_28, %mul3A_157 : i32
          %get3A_159 = arith.index_cast %mul3A_158 : i32 to index
          %get3A_160 = tpu.vector_load %arg16[%get3A_159] {strides = array<i32>} : memref<5120xf32, #tpu.memory_space<vmem>>, vector<16xf32>,
          tpu.vector_store_idx %arg21[%sub3A_145], %get3A_160 masked %and3A : memref<384xf32, #tpu.memory_space<vmem>>[vector<16xi32>], vector<16xf32>, vector<16xi1>
          %mul3A_161 = arith.constant 16 : i32
          %mul3A_162 = arith.muli %scan3A_28, %mul3A_161 : i32
          %get3A_163 = arith.index_cast %mul3A_162 : i32 to index
          %get3A_164 = tpu.vector_load %arg17[%get3A_163] {strides = array<i32>} : memref<5120xf32, #tpu.memory_space<vmem>>, vector<16xf32>,
          tpu.vector_store_idx %arg22[%sub3A_145], %get3A_164 masked %and3A : memref<384xf32, #tpu.memory_space<vmem>>[vector<16xi32>], vector<16xf32>, vector<16xi1>
        } else {
        }
        %add3A_47 = arith.addi %scan3A_29, %convert_element_type3A_41 : i32
        scf.yield %add3A_47 : i32
      }
      %scan3A_25 = arith.constant 320 : i32
      %broadcast_in_dim3A_26 = vector.broadcast %scan3A_24 : i32 to vector<16xi32>
      %swap3A = arith.constant 0 : index
      %swap3A_27 = tpu.vector_load %arg23[%swap3A] {strides = array<i32>} : memref<16xi32, #tpu.memory_space<vmem>>, vector<16xi32>,
      tpu.vector_store %arg23[%swap3A], %broadcast_in_dim3A_26 {strides = array<i32>} : memref<16xi32, #tpu.memory_space<vmem>>, vector<16xi32>,
      "tpu.region"() ({
        %run_scoped3A = tpu.sem_alloc : memref<!tpu.dma_semaphore, #tpu.memory_space<semaphore_mem>>
        %dma_start3A = arith.constant 0 : i32
        %dma_start3A_28 = tpu.memref_slice %arg12[%add3A_7, %dma_start3A] : memref<80x16xi32, #tpu.memory_space<hbm>> -> memref<1x16xi32, #tpu.memory_space<hbm>>
        %dma_start3A_29 = tpu.memref_squeeze %dma_start3A_28 : memref<1x16xi32, #tpu.memory_space<hbm>> -> memref<16xi32, #tpu.memory_space<hbm>>
        %dma_start3A_30 = arith.constant 0 : i32
        %dma_start3A_31 = tpu.memref_slice %arg12[%add3A_7, %dma_start3A_30] : memref<80x16xi32, #tpu.memory_space<hbm>> -> memref<1x16xi32, #tpu.memory_space<hbm>>
        %dma_start3A_32 = tpu.memref_squeeze %dma_start3A_31 : memref<1x16xi32, #tpu.memory_space<hbm>> -> memref<16xi32, #tpu.memory_space<hbm>>
        tpu.enqueue_dma source(%arg23 : memref<16xi32, #tpu.memory_space<vmem>>) target(%dma_start3A_32 : memref<16xi32, #tpu.memory_space<hbm>>) target_semaphore(%run_scoped3A : memref<!tpu.dma_semaphore, #tpu.memory_space<semaphore_mem>>)
        %dma_wait3A = arith.constant 0 : i32
        %dma_wait3A_33 = tpu.memref_slice %arg12[%add3A_7, %dma_wait3A] : memref<80x16xi32, #tpu.memory_space<hbm>> -> memref<1x16xi32, #tpu.memory_space<hbm>>
        %dma_wait3A_34 = tpu.memref_squeeze %dma_wait3A_33 : memref<1x16xi32, #tpu.memory_space<hbm>> -> memref<16xi32, #tpu.memory_space<hbm>>
        %dma_wait3A_35 = arith.constant 0 : i32
        %dma_wait3A_36 = tpu.memref_slice %arg12[%add3A_7, %dma_wait3A_35] : memref<80x16xi32, #tpu.memory_space<hbm>> -> memref<1x16xi32, #tpu.memory_space<hbm>>
        %dma_wait3A_37 = tpu.memref_squeeze %dma_wait3A_36 : memref<1x16xi32, #tpu.memory_space<hbm>> -> memref<16xi32, #tpu.memory_space<hbm>>
        tpu.wait_dma2 semaphore(%run_scoped3A : memref<!tpu.dma_semaphore, #tpu.memory_space<semaphore_mem>>) src(%arg23 : memref<16xi32, #tpu.memory_space<vmem>>) dst(%dma_wait3A_37 : memref<16xi32, #tpu.memory_space<hbm>>)
        tpu.yield
      }) : () -> ()
      "tpu.region"() ({
        %run_scoped3A = tpu.sem_alloc : memref<!tpu.dma_semaphore, #tpu.memory_space<semaphore_mem>>
        %dma_start3A = arith.constant 0 : i32
        %dma_start3A_28 = tpu.memref_slice %arg7[%add3A_7, %dma_start3A] : memref<80x384xf32, #tpu.memory_space<hbm>> -> memref<1x384xf32, #tpu.memory_space<hbm>>
        %dma_start3A_29 = tpu.memref_squeeze %dma_start3A_28 : memref<1x384xf32, #tpu.memory_space<hbm>> -> memref<384xf32, #tpu.memory_space<hbm>>
        %dma_start3A_30 = arith.constant 0 : i32
        %dma_start3A_31 = tpu.memref_slice %arg7[%add3A_7, %dma_start3A_30] : memref<80x384xf32, #tpu.memory_space<hbm>> -> memref<1x384xf32, #tpu.memory_space<hbm>>
        %dma_start3A_32 = tpu.memref_squeeze %dma_start3A_31 : memref<1x384xf32, #tpu.memory_space<hbm>> -> memref<384xf32, #tpu.memory_space<hbm>>
        tpu.enqueue_dma source(%arg18 : memref<384xf32, #tpu.memory_space<vmem>>) target(%dma_start3A_32 : memref<384xf32, #tpu.memory_space<hbm>>) target_semaphore(%run_scoped3A : memref<!tpu.dma_semaphore, #tpu.memory_space<semaphore_mem>>)
        %dma_wait3A = arith.constant 0 : i32
        %dma_wait3A_33 = tpu.memref_slice %arg7[%add3A_7, %dma_wait3A] : memref<80x384xf32, #tpu.memory_space<hbm>> -> memref<1x384xf32, #tpu.memory_space<hbm>>
        %dma_wait3A_34 = tpu.memref_squeeze %dma_wait3A_33 : memref<1x384xf32, #tpu.memory_space<hbm>> -> memref<384xf32, #tpu.memory_space<hbm>>
        %dma_wait3A_35 = arith.constant 0 : i32
        %dma_wait3A_36 = tpu.memref_slice %arg7[%add3A_7, %dma_wait3A_35] : memref<80x384xf32, #tpu.memory_space<hbm>> -> memref<1x384xf32, #tpu.memory_space<hbm>>
        %dma_wait3A_37 = tpu.memref_squeeze %dma_wait3A_36 : memref<1x384xf32, #tpu.memory_space<hbm>> -> memref<384xf32, #tpu.memory_space<hbm>>
        tpu.wait_dma2 semaphore(%run_scoped3A : memref<!tpu.dma_semaphore, #tpu.memory_space<semaphore_mem>>) src(%arg18 : memref<384xf32, #tpu.memory_space<vmem>>) dst(%dma_wait3A_37 : memref<384xf32, #tpu.memory_space<hbm>>)
        tpu.yield
      }) : () -> ()
      "tpu.region"() ({
        %run_scoped3A = tpu.sem_alloc : memref<!tpu.dma_semaphore, #tpu.memory_space<semaphore_mem>>
        %dma_start3A = arith.constant 0 : i32
        %dma_start3A_28 = tpu.memref_slice %arg8[%add3A_7, %dma_start3A] : memref<80x384xf32, #tpu.memory_space<hbm>> -> memref<1x384xf32, #tpu.memory_space<hbm>>
        %dma_start3A_29 = tpu.memref_squeeze %dma_start3A_28 : memref<1x384xf32, #tpu.memory_space<hbm>> -> memref<384xf32, #tpu.memory_space<hbm>>
        %dma_start3A_30 = arith.constant 0 : i32
        %dma_start3A_31 = tpu.memref_slice %arg8[%add3A_7, %dma_start3A_30] : memref<80x384xf32, #tpu.memory_space<hbm>> -> memref<1x384xf32, #tpu.memory_space<hbm>>
        %dma_start3A_32 = tpu.memref_squeeze %dma_start3A_31 : memref<1x384xf32, #tpu.memory_space<hbm>> -> memref<384xf32, #tpu.memory_space<hbm>>
        tpu.enqueue_dma source(%arg19 : memref<384xf32, #tpu.memory_space<vmem>>) target(%dma_start3A_32 : memref<384xf32, #tpu.memory_space<hbm>>) target_semaphore(%run_scoped3A : memref<!tpu.dma_semaphore, #tpu.memory_space<semaphore_mem>>)
        %dma_wait3A = arith.constant 0 : i32
        %dma_wait3A_33 = tpu.memref_slice %arg8[%add3A_7, %dma_wait3A] : memref<80x384xf32, #tpu.memory_space<hbm>> -> memref<1x384xf32, #tpu.memory_space<hbm>>
        %dma_wait3A_34 = tpu.memref_squeeze %dma_wait3A_33 : memref<1x384xf32, #tpu.memory_space<hbm>> -> memref<384xf32, #tpu.memory_space<hbm>>
        %dma_wait3A_35 = arith.constant 0 : i32
        %dma_wait3A_36 = tpu.memref_slice %arg8[%add3A_7, %dma_wait3A_35] : memref<80x384xf32, #tpu.memory_space<hbm>> -> memref<1x384xf32, #tpu.memory_space<hbm>>
        %dma_wait3A_37 = tpu.memref_squeeze %dma_wait3A_36 : memref<1x384xf32, #tpu.memory_space<hbm>> -> memref<384xf32, #tpu.memory_space<hbm>>
        tpu.wait_dma2 semaphore(%run_scoped3A : memref<!tpu.dma_semaphore, #tpu.memory_space<semaphore_mem>>) src(%arg19 : memref<384xf32, #tpu.memory_space<vmem>>) dst(%dma_wait3A_37 : memref<384xf32, #tpu.memory_space<hbm>>)
        tpu.yield
      }) : () -> ()
      "tpu.region"() ({
        %run_scoped3A = tpu.sem_alloc : memref<!tpu.dma_semaphore, #tpu.memory_space<semaphore_mem>>
        %dma_start3A = arith.constant 0 : i32
        %dma_start3A_28 = tpu.memref_slice %arg9[%add3A_7, %dma_start3A] : memref<80x384xf32, #tpu.memory_space<hbm>> -> memref<1x384xf32, #tpu.memory_space<hbm>>
        %dma_start3A_29 = tpu.memref_squeeze %dma_start3A_28 : memref<1x384xf32, #tpu.memory_space<hbm>> -> memref<384xf32, #tpu.memory_space<hbm>>
        %dma_start3A_30 = arith.constant 0 : i32
        %dma_start3A_31 = tpu.memref_slice %arg9[%add3A_7, %dma_start3A_30] : memref<80x384xf32, #tpu.memory_space<hbm>> -> memref<1x384xf32, #tpu.memory_space<hbm>>
        %dma_start3A_32 = tpu.memref_squeeze %dma_start3A_31 : memref<1x384xf32, #tpu.memory_space<hbm>> -> memref<384xf32, #tpu.memory_space<hbm>>
        tpu.enqueue_dma source(%arg20 : memref<384xf32, #tpu.memory_space<vmem>>) target(%dma_start3A_32 : memref<384xf32, #tpu.memory_space<hbm>>) target_semaphore(%run_scoped3A : memref<!tpu.dma_semaphore, #tpu.memory_space<semaphore_mem>>)
        %dma_wait3A = arith.constant 0 : i32
        %dma_wait3A_33 = tpu.memref_slice %arg9[%add3A_7, %dma_wait3A] : memref<80x384xf32, #tpu.memory_space<hbm>> -> memref<1x384xf32, #tpu.memory_space<hbm>>
        %dma_wait3A_34 = tpu.memref_squeeze %dma_wait3A_33 : memref<1x384xf32, #tpu.memory_space<hbm>> -> memref<384xf32, #tpu.memory_space<hbm>>
        %dma_wait3A_35 = arith.constant 0 : i32
        %dma_wait3A_36 = tpu.memref_slice %arg9[%add3A_7, %dma_wait3A_35] : memref<80x384xf32, #tpu.memory_space<hbm>> -> memref<1x384xf32, #tpu.memory_space<hbm>>
        %dma_wait3A_37 = tpu.memref_squeeze %dma_wait3A_36 : memref<1x384xf32, #tpu.memory_space<hbm>> -> memref<384xf32, #tpu.memory_space<hbm>>
        tpu.wait_dma2 semaphore(%run_scoped3A : memref<!tpu.dma_semaphore, #tpu.memory_space<semaphore_mem>>) src(%arg20 : memref<384xf32, #tpu.memory_space<vmem>>) dst(%dma_wait3A_37 : memref<384xf32, #tpu.memory_space<hbm>>)
        tpu.yield
      }) : () -> ()
      "tpu.region"() ({
        %run_scoped3A = tpu.sem_alloc : memref<!tpu.dma_semaphore, #tpu.memory_space<semaphore_mem>>
        %dma_start3A = arith.constant 0 : i32
        %dma_start3A_28 = tpu.memref_slice %arg10[%add3A_7, %dma_start3A] : memref<80x384xf32, #tpu.memory_space<hbm>> -> memref<1x384xf32, #tpu.memory_space<hbm>>
        %dma_start3A_29 = tpu.memref_squeeze %dma_start3A_28 : memref<1x384xf32, #tpu.memory_space<hbm>> -> memref<384xf32, #tpu.memory_space<hbm>>
        %dma_start3A_30 = arith.constant 0 : i32
        %dma_start3A_31 = tpu.memref_slice %arg10[%add3A_7, %dma_start3A_30] : memref<80x384xf32, #tpu.memory_space<hbm>> -> memref<1x384xf32, #tpu.memory_space<hbm>>
        %dma_start3A_32 = tpu.memref_squeeze %dma_start3A_31 : memref<1x384xf32, #tpu.memory_space<hbm>> -> memref<384xf32, #tpu.memory_space<hbm>>
        tpu.enqueue_dma source(%arg21 : memref<384xf32, #tpu.memory_space<vmem>>) target(%dma_start3A_32 : memref<384xf32, #tpu.memory_space<hbm>>) target_semaphore(%run_scoped3A : memref<!tpu.dma_semaphore, #tpu.memory_space<semaphore_mem>>)
        %dma_wait3A = arith.constant 0 : i32
        %dma_wait3A_33 = tpu.memref_slice %arg10[%add3A_7, %dma_wait3A] : memref<80x384xf32, #tpu.memory_space<hbm>> -> memref<1x384xf32, #tpu.memory_space<hbm>>
        %dma_wait3A_34 = tpu.memref_squeeze %dma_wait3A_33 : memref<1x384xf32, #tpu.memory_space<hbm>> -> memref<384xf32, #tpu.memory_space<hbm>>
        %dma_wait3A_35 = arith.constant 0 : i32
        %dma_wait3A_36 = tpu.memref_slice %arg10[%add3A_7, %dma_wait3A_35] : memref<80x384xf32, #tpu.memory_space<hbm>> -> memref<1x384xf32, #tpu.memory_space<hbm>>
        %dma_wait3A_37 = tpu.memref_squeeze %dma_wait3A_36 : memref<1x384xf32, #tpu.memory_space<hbm>> -> memref<384xf32, #tpu.memory_space<hbm>>
        tpu.wait_dma2 semaphore(%run_scoped3A : memref<!tpu.dma_semaphore, #tpu.memory_space<semaphore_mem>>) src(%arg21 : memref<384xf32, #tpu.memory_space<vmem>>) dst(%dma_wait3A_37 : memref<384xf32, #tpu.memory_space<hbm>>)
        tpu.yield
      }) : () -> ()
      "tpu.region"() ({
        %run_scoped3A = tpu.sem_alloc : memref<!tpu.dma_semaphore, #tpu.memory_space<semaphore_mem>>
        %dma_start3A = arith.constant 0 : i32
        %dma_start3A_28 = tpu.memref_slice %arg11[%add3A_7, %dma_start3A] : memref<80x384xf32, #tpu.memory_space<hbm>> -> memref<1x384xf32, #tpu.memory_space<hbm>>
        %dma_start3A_29 = tpu.memref_squeeze %dma_start3A_28 : memref<1x384xf32, #tpu.memory_space<hbm>> -> memref<384xf32, #tpu.memory_space<hbm>>
        %dma_start3A_30 = arith.constant 0 : i32
        %dma_start3A_31 = tpu.memref_slice %arg11[%add3A_7, %dma_start3A_30] : memref<80x384xf32, #tpu.memory_space<hbm>> -> memref<1x384xf32, #tpu.memory_space<hbm>>
        %dma_start3A_32 = tpu.memref_squeeze %dma_start3A_31 : memref<1x384xf32, #tpu.memory_space<hbm>> -> memref<384xf32, #tpu.memory_space<hbm>>
        tpu.enqueue_dma source(%arg22 : memref<384xf32, #tpu.memory_space<vmem>>) target(%dma_start3A_32 : memref<384xf32, #tpu.memory_space<hbm>>) target_semaphore(%run_scoped3A : memref<!tpu.dma_semaphore, #tpu.memory_space<semaphore_mem>>)
        %dma_wait3A = arith.constant 0 : i32
        %dma_wait3A_33 = tpu.memref_slice %arg11[%add3A_7, %dma_wait3A] : memref<80x384xf32, #tpu.memory_space<hbm>> -> memref<1x384xf32, #tpu.memory_space<hbm>>
        %dma_wait3A_34 = tpu.memref_squeeze %dma_wait3A_33 : memref<1x384xf32, #tpu.memory_space<hbm>> -> memref<384xf32, #tpu.memory_space<hbm>>
        %dma_wait3A_35 = arith.constant 0 : i32
        %dma_wait3A_36 = tpu.memref_slice %arg11[%add3A_7, %dma_wait3A_35] : memref<80x384xf32, #tpu.memory_space<hbm>> -> memref<1x384xf32, #tpu.memory_space<hbm>>
        %dma_wait3A_37 = tpu.memref_squeeze %dma_wait3A_36 : memref<1x384xf32, #tpu.memory_space<hbm>> -> memref<384xf32, #tpu.memory_space<hbm>>
        tpu.wait_dma2 semaphore(%run_scoped3A : memref<!tpu.dma_semaphore, #tpu.memory_space<semaphore_mem>>) src(%arg22 : memref<384xf32, #tpu.memory_space<vmem>>) dst(%dma_wait3A_37 : memref<384xf32, #tpu.memory_space<hbm>>)
        tpu.yield
      }) : () -> ()
    } else {
    }
    %add3A_13 = arith.constant 64 : i32
    %add3A_14 = arith.addi %add3A, %add3A_13 : i32
    %lt3A_15 = arith.constant 80 : i32
    %lt3A_16 = arith.cmpi slt, %add3A_14, %lt3A_15 : i32
    %convert_element_type3A_17 = arith.extui %lt3A_16 : i1 to i32
    %cond3A_18 = arith.constant 0 : i32
    %cond3A_19 = arith.cmpi ne, %convert_element_type3A_17, %cond3A_18 : i32
    scf.if %cond3A_19 {
      "tpu.region"() ({
        %run_scoped3A = tpu.sem_alloc : memref<!tpu.dma_semaphore, #tpu.memory_space<semaphore_mem>>
        %dma_start3A = arith.constant 0 : i32
        %dma_start3A_28 = tpu.memref_slice %arg2[%add3A_14, %dma_start3A] : memref<80x5120xf32, #tpu.memory_space<hbm>> -> memref<1x5120xf32, #tpu.memory_space<hbm>>
        %dma_start3A_29 = tpu.memref_squeeze %dma_start3A_28 : memref<1x5120xf32, #tpu.memory_space<hbm>> -> memref<5120xf32, #tpu.memory_space<hbm>>
        %dma_start3A_30 = arith.constant 0 : i32
        %dma_start3A_31 = tpu.memref_slice %arg2[%add3A_14, %dma_start3A_30] : memref<80x5120xf32, #tpu.memory_space<hbm>> -> memref<1x5120xf32, #tpu.memory_space<hbm>>
        %dma_start3A_32 = tpu.memref_squeeze %dma_start3A_31 : memref<1x5120xf32, #tpu.memory_space<hbm>> -> memref<5120xf32, #tpu.memory_space<hbm>>
        tpu.enqueue_dma source(%dma_start3A_32 : memref<5120xf32, #tpu.memory_space<hbm>>) target(%arg13 : memref<5120xf32, #tpu.memory_space<vmem>>) target_semaphore(%run_scoped3A : memref<!tpu.dma_semaphore, #tpu.memory_space<semaphore_mem>>)
        %dma_wait3A = arith.constant 0 : i32
        %dma_wait3A_33 = tpu.memref_slice %arg2[%add3A_14, %dma_wait3A] : memref<80x5120xf32, #tpu.memory_space<hbm>> -> memref<1x5120xf32, #tpu.memory_space<hbm>>
        %dma_wait3A_34 = tpu.memref_squeeze %dma_wait3A_33 : memref<1x5120xf32, #tpu.memory_space<hbm>> -> memref<5120xf32, #tpu.memory_space<hbm>>
        %dma_wait3A_35 = arith.constant 0 : i32
        %dma_wait3A_36 = tpu.memref_slice %arg2[%add3A_14, %dma_wait3A_35] : memref<80x5120xf32, #tpu.memory_space<hbm>> -> memref<1x5120xf32, #tpu.memory_space<hbm>>
        %dma_wait3A_37 = tpu.memref_squeeze %dma_wait3A_36 : memref<1x5120xf32, #tpu.memory_space<hbm>> -> memref<5120xf32, #tpu.memory_space<hbm>>
        tpu.wait_dma2 semaphore(%run_scoped3A : memref<!tpu.dma_semaphore, #tpu.memory_space<semaphore_mem>>) src(%dma_wait3A_37 : memref<5120xf32, #tpu.memory_space<hbm>>) dst(%arg13 : memref<5120xf32, #tpu.memory_space<vmem>>)
        tpu.yield
      }) : () -> ()
      "tpu.region"() ({
        %run_scoped3A = tpu.sem_alloc : memref<!tpu.dma_semaphore, #tpu.memory_space<semaphore_mem>>
        %dma_start3A = arith.constant 0 : i32
        %dma_start3A_28 = tpu.memref_slice %arg3[%add3A_14, %dma_start3A] : memref<80x5120xf32, #tpu.memory_space<hbm>> -> memref<1x5120xf32, #tpu.memory_space<hbm>>
        %dma_start3A_29 = tpu.memref_squeeze %dma_start3A_28 : memref<1x5120xf32, #tpu.memory_space<hbm>> -> memref<5120xf32, #tpu.memory_space<hbm>>
        %dma_start3A_30 = arith.constant 0 : i32
        %dma_start3A_31 = tpu.memref_slice %arg3[%add3A_14, %dma_start3A_30] : memref<80x5120xf32, #tpu.memory_space<hbm>> -> memref<1x5120xf32, #tpu.memory_space<hbm>>
        %dma_start3A_32 = tpu.memref_squeeze %dma_start3A_31 : memref<1x5120xf32, #tpu.memory_space<hbm>> -> memref<5120xf32, #tpu.memory_space<hbm>>
        tpu.enqueue_dma source(%dma_start3A_32 : memref<5120xf32, #tpu.memory_space<hbm>>) target(%arg14 : memref<5120xf32, #tpu.memory_space<vmem>>) target_semaphore(%run_scoped3A : memref<!tpu.dma_semaphore, #tpu.memory_space<semaphore_mem>>)
        %dma_wait3A = arith.constant 0 : i32
        %dma_wait3A_33 = tpu.memref_slice %arg3[%add3A_14, %dma_wait3A] : memref<80x5120xf32, #tpu.memory_space<hbm>> -> memref<1x5120xf32, #tpu.memory_space<hbm>>
        %dma_wait3A_34 = tpu.memref_squeeze %dma_wait3A_33 : memref<1x5120xf32, #tpu.memory_space<hbm>> -> memref<5120xf32, #tpu.memory_space<hbm>>
        %dma_wait3A_35 = arith.constant 0 : i32
        %dma_wait3A_36 = tpu.memref_slice %arg3[%add3A_14, %dma_wait3A_35] : memref<80x5120xf32, #tpu.memory_space<hbm>> -> memref<1x5120xf32, #tpu.memory_space<hbm>>
        %dma_wait3A_37 = tpu.memref_squeeze %dma_wait3A_36 : memref<1x5120xf32, #tpu.memory_space<hbm>> -> memref<5120xf32, #tpu.memory_space<hbm>>
        tpu.wait_dma2 semaphore(%run_scoped3A : memref<!tpu.dma_semaphore, #tpu.memory_space<semaphore_mem>>) src(%dma_wait3A_37 : memref<5120xf32, #tpu.memory_space<hbm>>) dst(%arg14 : memref<5120xf32, #tpu.memory_space<vmem>>)
        tpu.yield
      }) : () -> ()
      "tpu.region"() ({
        %run_scoped3A = tpu.sem_alloc : memref<!tpu.dma_semaphore, #tpu.memory_space<semaphore_mem>>
        %dma_start3A = arith.constant 0 : i32
        %dma_start3A_28 = tpu.memref_slice %arg4[%add3A_14, %dma_start3A] : memref<80x5120xf32, #tpu.memory_space<hbm>> -> memref<1x5120xf32, #tpu.memory_space<hbm>>
        %dma_start3A_29 = tpu.memref_squeeze %dma_start3A_28 : memref<1x5120xf32, #tpu.memory_space<hbm>> -> memref<5120xf32, #tpu.memory_space<hbm>>
        %dma_start3A_30 = arith.constant 0 : i32
        %dma_start3A_31 = tpu.memref_slice %arg4[%add3A_14, %dma_start3A_30] : memref<80x5120xf32, #tpu.memory_space<hbm>> -> memref<1x5120xf32, #tpu.memory_space<hbm>>
        %dma_start3A_32 = tpu.memref_squeeze %dma_start3A_31 : memref<1x5120xf32, #tpu.memory_space<hbm>> -> memref<5120xf32, #tpu.memory_space<hbm>>
        tpu.enqueue_dma source(%dma_start3A_32 : memref<5120xf32, #tpu.memory_space<hbm>>) target(%arg15 : memref<5120xf32, #tpu.memory_space<vmem>>) target_semaphore(%run_scoped3A : memref<!tpu.dma_semaphore, #tpu.memory_space<semaphore_mem>>)
        %dma_wait3A = arith.constant 0 : i32
        %dma_wait3A_33 = tpu.memref_slice %arg4[%add3A_14, %dma_wait3A] : memref<80x5120xf32, #tpu.memory_space<hbm>> -> memref<1x5120xf32, #tpu.memory_space<hbm>>
        %dma_wait3A_34 = tpu.memref_squeeze %dma_wait3A_33 : memref<1x5120xf32, #tpu.memory_space<hbm>> -> memref<5120xf32, #tpu.memory_space<hbm>>
        %dma_wait3A_35 = arith.constant 0 : i32
        %dma_wait3A_36 = tpu.memref_slice %arg4[%add3A_14, %dma_wait3A_35] : memref<80x5120xf32, #tpu.memory_space<hbm>> -> memref<1x5120xf32, #tpu.memory_space<hbm>>
        %dma_wait3A_37 = tpu.memref_squeeze %dma_wait3A_36 : memref<1x5120xf32, #tpu.memory_space<hbm>> -> memref<5120xf32, #tpu.memory_space<hbm>>
        tpu.wait_dma2 semaphore(%run_scoped3A : memref<!tpu.dma_semaphore, #tpu.memory_space<semaphore_mem>>) src(%dma_wait3A_37 : memref<5120xf32, #tpu.memory_space<hbm>>) dst(%arg15 : memref<5120xf32, #tpu.memory_space<vmem>>)
        tpu.yield
      }) : () -> ()
      "tpu.region"() ({
        %run_scoped3A = tpu.sem_alloc : memref<!tpu.dma_semaphore, #tpu.memory_space<semaphore_mem>>
        %dma_start3A = arith.constant 0 : i32
        %dma_start3A_28 = tpu.memref_slice %arg5[%add3A_14, %dma_start3A] : memref<80x5120xf32, #tpu.memory_space<hbm>> -> memref<1x5120xf32, #tpu.memory_space<hbm>>
        %dma_start3A_29 = tpu.memref_squeeze %dma_start3A_28 : memref<1x5120xf32, #tpu.memory_space<hbm>> -> memref<5120xf32, #tpu.memory_space<hbm>>
        %dma_start3A_30 = arith.constant 0 : i32
        %dma_start3A_31 = tpu.memref_slice %arg5[%add3A_14, %dma_start3A_30] : memref<80x5120xf32, #tpu.memory_space<hbm>> -> memref<1x5120xf32, #tpu.memory_space<hbm>>
        %dma_start3A_32 = tpu.memref_squeeze %dma_start3A_31 : memref<1x5120xf32, #tpu.memory_space<hbm>> -> memref<5120xf32, #tpu.memory_space<hbm>>
        tpu.enqueue_dma source(%dma_start3A_32 : memref<5120xf32, #tpu.memory_space<hbm>>) target(%arg16 : memref<5120xf32, #tpu.memory_space<vmem>>) target_semaphore(%run_scoped3A : memref<!tpu.dma_semaphore, #tpu.memory_space<semaphore_mem>>)
        %dma_wait3A = arith.constant 0 : i32
        %dma_wait3A_33 = tpu.memref_slice %arg5[%add3A_14, %dma_wait3A] : memref<80x5120xf32, #tpu.memory_space<hbm>> -> memref<1x5120xf32, #tpu.memory_space<hbm>>
        %dma_wait3A_34 = tpu.memref_squeeze %dma_wait3A_33 : memref<1x5120xf32, #tpu.memory_space<hbm>> -> memref<5120xf32, #tpu.memory_space<hbm>>
        %dma_wait3A_35 = arith.constant 0 : i32
        %dma_wait3A_36 = tpu.memref_slice %arg5[%add3A_14, %dma_wait3A_35] : memref<80x5120xf32, #tpu.memory_space<hbm>> -> memref<1x5120xf32, #tpu.memory_space<hbm>>
        %dma_wait3A_37 = tpu.memref_squeeze %dma_wait3A_36 : memref<1x5120xf32, #tpu.memory_space<hbm>> -> memref<5120xf32, #tpu.memory_space<hbm>>
        tpu.wait_dma2 semaphore(%run_scoped3A : memref<!tpu.dma_semaphore, #tpu.memory_space<semaphore_mem>>) src(%dma_wait3A_37 : memref<5120xf32, #tpu.memory_space<hbm>>) dst(%arg16 : memref<5120xf32, #tpu.memory_space<vmem>>)
        tpu.yield
      }) : () -> ()
      "tpu.region"() ({
        %run_scoped3A = tpu.sem_alloc : memref<!tpu.dma_semaphore, #tpu.memory_space<semaphore_mem>>
        %dma_start3A = arith.constant 0 : i32
        %dma_start3A_28 = tpu.memref_slice %arg6[%add3A_14, %dma_start3A] : memref<80x5120xf32, #tpu.memory_space<hbm>> -> memref<1x5120xf32, #tpu.memory_space<hbm>>
        %dma_start3A_29 = tpu.memref_squeeze %dma_start3A_28 : memref<1x5120xf32, #tpu.memory_space<hbm>> -> memref<5120xf32, #tpu.memory_space<hbm>>
        %dma_start3A_30 = arith.constant 0 : i32
        %dma_start3A_31 = tpu.memref_slice %arg6[%add3A_14, %dma_start3A_30] : memref<80x5120xf32, #tpu.memory_space<hbm>> -> memref<1x5120xf32, #tpu.memory_space<hbm>>
        %dma_start3A_32 = tpu.memref_squeeze %dma_start3A_31 : memref<1x5120xf32, #tpu.memory_space<hbm>> -> memref<5120xf32, #tpu.memory_space<hbm>>
        tpu.enqueue_dma source(%dma_start3A_32 : memref<5120xf32, #tpu.memory_space<hbm>>) target(%arg17 : memref<5120xf32, #tpu.memory_space<vmem>>) target_semaphore(%run_scoped3A : memref<!tpu.dma_semaphore, #tpu.memory_space<semaphore_mem>>)
        %dma_wait3A = arith.constant 0 : i32
        %dma_wait3A_33 = tpu.memref_slice %arg6[%add3A_14, %dma_wait3A] : memref<80x5120xf32, #tpu.memory_space<hbm>> -> memref<1x5120xf32, #tpu.memory_space<hbm>>
        %dma_wait3A_34 = tpu.memref_squeeze %dma_wait3A_33 : memref<1x5120xf32, #tpu.memory_space<hbm>> -> memref<5120xf32, #tpu.memory_space<hbm>>
        %dma_wait3A_35 = arith.constant 0 : i32
        %dma_wait3A_36 = tpu.memref_slice %arg6[%add3A_14, %dma_wait3A_35] : memref<80x5120xf32, #tpu.memory_space<hbm>> -> memref<1x5120xf32, #tpu.memory_space<hbm>>
        %dma_wait3A_37 = tpu.memref_squeeze %dma_wait3A_36 : memref<1x5120xf32, #tpu.memory_space<hbm>> -> memref<5120xf32, #tpu.memory_space<hbm>>
        tpu.wait_dma2 semaphore(%run_scoped3A : memref<!tpu.dma_semaphore, #tpu.memory_space<semaphore_mem>>) src(%dma_wait3A_37 : memref<5120xf32, #tpu.memory_space<hbm>>) dst(%arg17 : memref<5120xf32, #tpu.memory_space<vmem>>)
        tpu.yield
      }) : () -> ()
      %scan3A = arith.constant 0 : i32
      %scan3A_20 = arith.constant 0 : i32
      %scan3A_21 = arith.constant 320 : i32
      %scan3A_22 = arith.addi %scan3A_20, %scan3A_21 : i32
      %scan3A_23 = arith.constant 1 : i32
      %scan3A_24 = scf.for %scan3A_28 = %scan3A_20 to %scan3A_22 step %scan3A_23 iter_args(%scan3A_29 = %scan3A) -> (i32)  : i32 {
        %mul3A_30 = arith.constant 16 : i32
        %mul3A_31 = arith.muli %scan3A_28, %mul3A_30 : i32
        %get3A = arith.index_cast %mul3A_31 : i32 to index
        %get3A_32 = tpu.vector_load %arg13[%get3A] {strides = array<i32>} : memref<5120xf32, #tpu.memory_space<vmem>>, vector<16xf32>,
        %gt3A = arith.constant 0.000000e+00 : f32
        %gt3A_33 = vector.broadcast %gt3A : f32 to vector<16xf32>
        %gt3A_34 = arith.cmpf ogt, %get3A_32, %gt3A_33 : vector<16xf32>
        %jit3A = arith.constant 1.000000e+00 : f32
        %jit3A_35 = arith.constant 0.000000e+00 : f32
        %broadcast_in_dim3A_36 = vector.broadcast %jit3A : f32 to vector<16xf32>
        %broadcast_in_dim3A_37 = vector.broadcast %jit3A_35 : f32 to vector<16xf32>
        %select_n3A = arith.select %gt3A_34, %broadcast_in_dim3A_36, %broadcast_in_dim3A_37 : vector<16xi1>, vector<16xf32>
        %reduce_sum3A = arith.constant true
        %reduce_sum3A_38 = vector.broadcast %reduce_sum3A : i1 to vector<16xi1>
        %reduce_sum3A_39 = tpu.scan <sum>, %select_n3A masked %reduce_sum3A_38 : vector<16xf32>, vector<16xi1> -> vector<16xf32>
        %reduce_sum3A_40 = vector.extract %reduce_sum3A_39[15] : f32 from vector<16xf32>
        %convert_element_type3A_41 = arith.fptosi %reduce_sum3A_40 : f32 to i32
        %gt3A_42 = arith.constant 0 : i32
        %gt3A_43 = arith.cmpi sgt, %convert_element_type3A_41, %gt3A_42 : i32
        %convert_element_type3A_44 = arith.extui %gt3A_43 : i1 to i32
        %cond3A_45 = arith.constant 0 : i32
        %cond3A_46 = arith.cmpi ne, %convert_element_type3A_44, %cond3A_45 : i32
        scf.if %cond3A_46 {
          %jit3A_48 = arith.constant 1 : i32
          %jit3A_49 = arith.constant 0 : i32
          %broadcast_in_dim3A_50 = vector.broadcast %jit3A_48 : i32 to vector<16xi32>
          %broadcast_in_dim3A_51 = vector.broadcast %jit3A_49 : i32 to vector<16xi32>
          %select_n3A_52 = arith.select %gt3A_34, %broadcast_in_dim3A_50, %broadcast_in_dim3A_51 : vector<16xi1>, vector<16xi32>
          %sub3A = arith.constant 1 : i32
          %sub3A_53 = vector.broadcast %sub3A : i32 to vector<16xi32>
          %sub3A_54 = arith.subi %iota3A, %sub3A_53 : vector<16xi32>
          %max3A = arith.constant 0 : i32
          %max3A_55 = vector.broadcast %max3A : i32 to vector<16xi32>
          %max3A_56 = arith.maxsi %sub3A_54, %max3A_55 : vector<16xi32>
          %lt3A_57 = arith.constant 0 : i32
          %lt3A_58 = vector.broadcast %lt3A_57 : i32 to vector<16xi32>
          %lt3A_59 = arith.cmpi slt, %max3A_56, %lt3A_58 : vector<16xi32>
          %add3A_60 = arith.constant 16 : i32
          %add3A_61 = vector.broadcast %add3A_60 : i32 to vector<16xi32>
          %add3A_62 = arith.addi %max3A_56, %add3A_61 : vector<16xi32>
          %select_n3A_63 = arith.select %lt3A_59, %add3A_62, %max3A_56 : vector<16xi1>, vector<16xi32>
          %broadcast_in_dim3A_64 = vector.shape_cast %select_n3A_63 : vector<16xi32> to vector<16x1xi32>
          %gather3A = vector.shape_cast %broadcast_in_dim3A_64 : vector<16x1xi32> to vector<16xi32>
          %gather3A_65 = tpu.dynamic_gather %select_n3A_52[%gather3A] in [0] : vector<16xi32>, vector<16xi32> -> vector<16xi32>
          %ge3A = arith.constant 1 : i32
          %ge3A_66 = vector.broadcast %ge3A : i32 to vector<16xi32>
          %ge3A_67 = arith.cmpi sge, %iota3A, %ge3A_66 : vector<16xi32>
          %jit3A_68 = arith.constant 0 : i32
          %broadcast_in_dim3A_69 = vector.broadcast %jit3A_68 : i32 to vector<16xi32>
          %select_n3A_70 = arith.select %ge3A_67, %gather3A_65, %broadcast_in_dim3A_69 : vector<16xi1>, vector<16xi32>
          %add3A_71 = arith.addi %select_n3A_52, %select_n3A_70 : vector<16xi32>
          %sub3A_72 = arith.constant 2 : i32
          %sub3A_73 = vector.broadcast %sub3A_72 : i32 to vector<16xi32>
          %sub3A_74 = arith.subi %iota3A, %sub3A_73 : vector<16xi32>
          %max3A_75 = arith.constant 0 : i32
          %max3A_76 = vector.broadcast %max3A_75 : i32 to vector<16xi32>
          %max3A_77 = arith.maxsi %sub3A_74, %max3A_76 : vector<16xi32>
          %lt3A_78 = arith.constant 0 : i32
          %lt3A_79 = vector.broadcast %lt3A_78 : i32 to vector<16xi32>
          %lt3A_80 = arith.cmpi slt, %max3A_77, %lt3A_79 : vector<16xi32>
          %add3A_81 = arith.constant 16 : i32
          %add3A_82 = vector.broadcast %add3A_81 : i32 to vector<16xi32>
          %add3A_83 = arith.addi %max3A_77, %add3A_82 : vector<16xi32>
          %select_n3A_84 = arith.select %lt3A_80, %add3A_83, %max3A_77 : vector<16xi1>, vector<16xi32>
          %broadcast_in_dim3A_85 = vector.shape_cast %select_n3A_84 : vector<16xi32> to vector<16x1xi32>
          %gather3A_86 = vector.shape_cast %broadcast_in_dim3A_85 : vector<16x1xi32> to vector<16xi32>
          %gather3A_87 = tpu.dynamic_gather %add3A_71[%gather3A_86] in [0] : vector<16xi32>, vector<16xi32> -> vector<16xi32>
          %ge3A_88 = arith.constant 2 : i32
          %ge3A_89 = vector.broadcast %ge3A_88 : i32 to vector<16xi32>
          %ge3A_90 = arith.cmpi sge, %iota3A, %ge3A_89 : vector<16xi32>
          %jit3A_91 = arith.constant 0 : i32
          %broadcast_in_dim3A_92 = vector.broadcast %jit3A_91 : i32 to vector<16xi32>
          %select_n3A_93 = arith.select %ge3A_90, %gather3A_87, %broadcast_in_dim3A_92 : vector<16xi1>, vector<16xi32>
          %add3A_94 = arith.addi %add3A_71, %select_n3A_93 : vector<16xi32>
          %sub3A_95 = arith.constant 4 : i32
          %sub3A_96 = vector.broadcast %sub3A_95 : i32 to vector<16xi32>
          %sub3A_97 = arith.subi %iota3A, %sub3A_96 : vector<16xi32>
          %max3A_98 = arith.constant 0 : i32
          %max3A_99 = vector.broadcast %max3A_98 : i32 to vector<16xi32>
          %max3A_100 = arith.maxsi %sub3A_97, %max3A_99 : vector<16xi32>
          %lt3A_101 = arith.constant 0 : i32
          %lt3A_102 = vector.broadcast %lt3A_101 : i32 to vector<16xi32>
          %lt3A_103 = arith.cmpi slt, %max3A_100, %lt3A_102 : vector<16xi32>
          %add3A_104 = arith.constant 16 : i32
          %add3A_105 = vector.broadcast %add3A_104 : i32 to vector<16xi32>
          %add3A_106 = arith.addi %max3A_100, %add3A_105 : vector<16xi32>
          %select_n3A_107 = arith.select %lt3A_103, %add3A_106, %max3A_100 : vector<16xi1>, vector<16xi32>
          %broadcast_in_dim3A_108 = vector.shape_cast %select_n3A_107 : vector<16xi32> to vector<16x1xi32>
          %gather3A_109 = vector.shape_cast %broadcast_in_dim3A_108 : vector<16x1xi32> to vector<16xi32>
          %gather3A_110 = tpu.dynamic_gather %add3A_94[%gather3A_109] in [0] : vector<16xi32>, vector<16xi32> -> vector<16xi32>
          %ge3A_111 = arith.constant 4 : i32
          %ge3A_112 = vector.broadcast %ge3A_111 : i32 to vector<16xi32>
          %ge3A_113 = arith.cmpi sge, %iota3A, %ge3A_112 : vector<16xi32>
          %jit3A_114 = arith.constant 0 : i32
          %broadcast_in_dim3A_115 = vector.broadcast %jit3A_114 : i32 to vector<16xi32>
          %select_n3A_116 = arith.select %ge3A_113, %gather3A_110, %broadcast_in_dim3A_115 : vector<16xi1>, vector<16xi32>
          %add3A_117 = arith.addi %add3A_94, %select_n3A_116 : vector<16xi32>
          %sub3A_118 = arith.constant 8 : i32
          %sub3A_119 = vector.broadcast %sub3A_118 : i32 to vector<16xi32>
          %sub3A_120 = arith.subi %iota3A, %sub3A_119 : vector<16xi32>
          %max3A_121 = arith.constant 0 : i32
          %max3A_122 = vector.broadcast %max3A_121 : i32 to vector<16xi32>
          %max3A_123 = arith.maxsi %sub3A_120, %max3A_122 : vector<16xi32>
          %lt3A_124 = arith.constant 0 : i32
          %lt3A_125 = vector.broadcast %lt3A_124 : i32 to vector<16xi32>
          %lt3A_126 = arith.cmpi slt, %max3A_123, %lt3A_125 : vector<16xi32>
          %add3A_127 = arith.constant 16 : i32
          %add3A_128 = vector.broadcast %add3A_127 : i32 to vector<16xi32>
          %add3A_129 = arith.addi %max3A_123, %add3A_128 : vector<16xi32>
          %select_n3A_130 = arith.select %lt3A_126, %add3A_129, %max3A_123 : vector<16xi1>, vector<16xi32>
          %broadcast_in_dim3A_131 = vector.shape_cast %select_n3A_130 : vector<16xi32> to vector<16x1xi32>
          %gather3A_132 = vector.shape_cast %broadcast_in_dim3A_131 : vector<16x1xi32> to vector<16xi32>
          %gather3A_133 = tpu.dynamic_gather %add3A_117[%gather3A_132] in [0] : vector<16xi32>, vector<16xi32> -> vector<16xi32>
          %ge3A_134 = arith.constant 8 : i32
          %ge3A_135 = vector.broadcast %ge3A_134 : i32 to vector<16xi32>
          %ge3A_136 = arith.cmpi sge, %iota3A, %ge3A_135 : vector<16xi32>
          %jit3A_137 = arith.constant 0 : i32
          %broadcast_in_dim3A_138 = vector.broadcast %jit3A_137 : i32 to vector<16xi32>
          %select_n3A_139 = arith.select %ge3A_136, %gather3A_133, %broadcast_in_dim3A_138 : vector<16xi1>, vector<16xi32>
          %add3A_140 = arith.addi %add3A_117, %select_n3A_139 : vector<16xi32>
          %add3A_141 = vector.broadcast %scan3A_29 : i32 to vector<16xi32>
          %add3A_142 = arith.addi %add3A_141, %add3A_140 : vector<16xi32>
          %sub3A_143 = arith.constant 1 : i32
          %sub3A_144 = vector.broadcast %sub3A_143 : i32 to vector<16xi32>
          %sub3A_145 = arith.subi %add3A_142, %sub3A_144 : vector<16xi32>
          %lt3A_146 = arith.constant 384 : i32
          %lt3A_147 = vector.broadcast %lt3A_146 : i32 to vector<16xi32>
          %lt3A_148 = arith.cmpi slt, %sub3A_145, %lt3A_147 : vector<16xi32>
          %and3A = arith.andi %gt3A_34, %lt3A_148 : vector<16xi1>
          tpu.vector_store_idx %arg18[%sub3A_145], %get3A_32 masked %and3A : memref<384xf32, #tpu.memory_space<vmem>>[vector<16xi32>], vector<16xf32>, vector<16xi1>
          %mul3A_149 = arith.constant 16 : i32
          %mul3A_150 = arith.muli %scan3A_28, %mul3A_149 : i32
          %get3A_151 = arith.index_cast %mul3A_150 : i32 to index
          %get3A_152 = tpu.vector_load %arg14[%get3A_151] {strides = array<i32>} : memref<5120xf32, #tpu.memory_space<vmem>>, vector<16xf32>,
          tpu.vector_store_idx %arg19[%sub3A_145], %get3A_152 masked %and3A : memref<384xf32, #tpu.memory_space<vmem>>[vector<16xi32>], vector<16xf32>, vector<16xi1>
          %mul3A_153 = arith.constant 16 : i32
          %mul3A_154 = arith.muli %scan3A_28, %mul3A_153 : i32
          %get3A_155 = arith.index_cast %mul3A_154 : i32 to index
          %get3A_156 = tpu.vector_load %arg15[%get3A_155] {strides = array<i32>} : memref<5120xf32, #tpu.memory_space<vmem>>, vector<16xf32>,
          tpu.vector_store_idx %arg20[%sub3A_145], %get3A_156 masked %and3A : memref<384xf32, #tpu.memory_space<vmem>>[vector<16xi32>], vector<16xf32>, vector<16xi1>
          %mul3A_157 = arith.constant 16 : i32
          %mul3A_158 = arith.muli %scan3A_28, %mul3A_157 : i32
          %get3A_159 = arith.index_cast %mul3A_158 : i32 to index
          %get3A_160 = tpu.vector_load %arg16[%get3A_159] {strides = array<i32>} : memref<5120xf32, #tpu.memory_space<vmem>>, vector<16xf32>,
          tpu.vector_store_idx %arg21[%sub3A_145], %get3A_160 masked %and3A : memref<384xf32, #tpu.memory_space<vmem>>[vector<16xi32>], vector<16xf32>, vector<16xi1>
          %mul3A_161 = arith.constant 16 : i32
          %mul3A_162 = arith.muli %scan3A_28, %mul3A_161 : i32
          %get3A_163 = arith.index_cast %mul3A_162 : i32 to index
          %get3A_164 = tpu.vector_load %arg17[%get3A_163] {strides = array<i32>} : memref<5120xf32, #tpu.memory_space<vmem>>, vector<16xf32>,
          tpu.vector_store_idx %arg22[%sub3A_145], %get3A_164 masked %and3A : memref<384xf32, #tpu.memory_space<vmem>>[vector<16xi32>], vector<16xf32>, vector<16xi1>
        } else {
        }
        %add3A_47 = arith.addi %scan3A_29, %convert_element_type3A_41 : i32
        scf.yield %add3A_47 : i32
      }
      %scan3A_25 = arith.constant 320 : i32
      %broadcast_in_dim3A_26 = vector.broadcast %scan3A_24 : i32 to vector<16xi32>
      %swap3A = arith.constant 0 : index
      %swap3A_27 = tpu.vector_load %arg23[%swap3A] {strides = array<i32>} : memref<16xi32, #tpu.memory_space<vmem>>, vector<16xi32>,
      tpu.vector_store %arg23[%swap3A], %broadcast_in_dim3A_26 {strides = array<i32>} : memref<16xi32, #tpu.memory_space<vmem>>, vector<16xi32>,
      "tpu.region"() ({
        %run_scoped3A = tpu.sem_alloc : memref<!tpu.dma_semaphore, #tpu.memory_space<semaphore_mem>>
        %dma_start3A = arith.constant 0 : i32
        %dma_start3A_28 = tpu.memref_slice %arg12[%add3A_14, %dma_start3A] : memref<80x16xi32, #tpu.memory_space<hbm>> -> memref<1x16xi32, #tpu.memory_space<hbm>>
        %dma_start3A_29 = tpu.memref_squeeze %dma_start3A_28 : memref<1x16xi32, #tpu.memory_space<hbm>> -> memref<16xi32, #tpu.memory_space<hbm>>
        %dma_start3A_30 = arith.constant 0 : i32
        %dma_start3A_31 = tpu.memref_slice %arg12[%add3A_14, %dma_start3A_30] : memref<80x16xi32, #tpu.memory_space<hbm>> -> memref<1x16xi32, #tpu.memory_space<hbm>>
        %dma_start3A_32 = tpu.memref_squeeze %dma_start3A_31 : memref<1x16xi32, #tpu.memory_space<hbm>> -> memref<16xi32, #tpu.memory_space<hbm>>
        tpu.enqueue_dma source(%arg23 : memref<16xi32, #tpu.memory_space<vmem>>) target(%dma_start3A_32 : memref<16xi32, #tpu.memory_space<hbm>>) target_semaphore(%run_scoped3A : memref<!tpu.dma_semaphore, #tpu.memory_space<semaphore_mem>>)
        %dma_wait3A = arith.constant 0 : i32
        %dma_wait3A_33 = tpu.memref_slice %arg12[%add3A_14, %dma_wait3A] : memref<80x16xi32, #tpu.memory_space<hbm>> -> memref<1x16xi32, #tpu.memory_space<hbm>>
        %dma_wait3A_34 = tpu.memref_squeeze %dma_wait3A_33 : memref<1x16xi32, #tpu.memory_space<hbm>> -> memref<16xi32, #tpu.memory_space<hbm>>
        %dma_wait3A_35 = arith.constant 0 : i32
        %dma_wait3A_36 = tpu.memref_slice %arg12[%add3A_14, %dma_wait3A_35] : memref<80x16xi32, #tpu.memory_space<hbm>> -> memref<1x16xi32, #tpu.memory_space<hbm>>
        %dma_wait3A_37 = tpu.memref_squeeze %dma_wait3A_36 : memref<1x16xi32, #tpu.memory_space<hbm>> -> memref<16xi32, #tpu.memory_space<hbm>>
        tpu.wait_dma2 semaphore(%run_scoped3A : memref<!tpu.dma_semaphore, #tpu.memory_space<semaphore_mem>>) src(%arg23 : memref<16xi32, #tpu.memory_space<vmem>>) dst(%dma_wait3A_37 : memref<16xi32, #tpu.memory_space<hbm>>)
        tpu.yield
      }) : () -> ()
      "tpu.region"() ({
        %run_scoped3A = tpu.sem_alloc : memref<!tpu.dma_semaphore, #tpu.memory_space<semaphore_mem>>
        %dma_start3A = arith.constant 0 : i32
        %dma_start3A_28 = tpu.memref_slice %arg7[%add3A_14, %dma_start3A] : memref<80x384xf32, #tpu.memory_space<hbm>> -> memref<1x384xf32, #tpu.memory_space<hbm>>
        %dma_start3A_29 = tpu.memref_squeeze %dma_start3A_28 : memref<1x384xf32, #tpu.memory_space<hbm>> -> memref<384xf32, #tpu.memory_space<hbm>>
        %dma_start3A_30 = arith.constant 0 : i32
        %dma_start3A_31 = tpu.memref_slice %arg7[%add3A_14, %dma_start3A_30] : memref<80x384xf32, #tpu.memory_space<hbm>> -> memref<1x384xf32, #tpu.memory_space<hbm>>
        %dma_start3A_32 = tpu.memref_squeeze %dma_start3A_31 : memref<1x384xf32, #tpu.memory_space<hbm>> -> memref<384xf32, #tpu.memory_space<hbm>>
        tpu.enqueue_dma source(%arg18 : memref<384xf32, #tpu.memory_space<vmem>>) target(%dma_start3A_32 : memref<384xf32, #tpu.memory_space<hbm>>) target_semaphore(%run_scoped3A : memref<!tpu.dma_semaphore, #tpu.memory_space<semaphore_mem>>)
        %dma_wait3A = arith.constant 0 : i32
        %dma_wait3A_33 = tpu.memref_slice %arg7[%add3A_14, %dma_wait3A] : memref<80x384xf32, #tpu.memory_space<hbm>> -> memref<1x384xf32, #tpu.memory_space<hbm>>
        %dma_wait3A_34 = tpu.memref_squeeze %dma_wait3A_33 : memref<1x384xf32, #tpu.memory_space<hbm>> -> memref<384xf32, #tpu.memory_space<hbm>>
        %dma_wait3A_35 = arith.constant 0 : i32
        %dma_wait3A_36 = tpu.memref_slice %arg7[%add3A_14, %dma_wait3A_35] : memref<80x384xf32, #tpu.memory_space<hbm>> -> memref<1x384xf32, #tpu.memory_space<hbm>>
        %dma_wait3A_37 = tpu.memref_squeeze %dma_wait3A_36 : memref<1x384xf32, #tpu.memory_space<hbm>> -> memref<384xf32, #tpu.memory_space<hbm>>
        tpu.wait_dma2 semaphore(%run_scoped3A : memref<!tpu.dma_semaphore, #tpu.memory_space<semaphore_mem>>) src(%arg18 : memref<384xf32, #tpu.memory_space<vmem>>) dst(%dma_wait3A_37 : memref<384xf32, #tpu.memory_space<hbm>>)
        tpu.yield
      }) : () -> ()
      "tpu.region"() ({
        %run_scoped3A = tpu.sem_alloc : memref<!tpu.dma_semaphore, #tpu.memory_space<semaphore_mem>>
        %dma_start3A = arith.constant 0 : i32
        %dma_start3A_28 = tpu.memref_slice %arg8[%add3A_14, %dma_start3A] : memref<80x384xf32, #tpu.memory_space<hbm>> -> memref<1x384xf32, #tpu.memory_space<hbm>>
        %dma_start3A_29 = tpu.memref_squeeze %dma_start3A_28 : memref<1x384xf32, #tpu.memory_space<hbm>> -> memref<384xf32, #tpu.memory_space<hbm>>
        %dma_start3A_30 = arith.constant 0 : i32
        %dma_start3A_31 = tpu.memref_slice %arg8[%add3A_14, %dma_start3A_30] : memref<80x384xf32, #tpu.memory_space<hbm>> -> memref<1x384xf32, #tpu.memory_space<hbm>>
        %dma_start3A_32 = tpu.memref_squeeze %dma_start3A_31 : memref<1x384xf32, #tpu.memory_space<hbm>> -> memref<384xf32, #tpu.memory_space<hbm>>
        tpu.enqueue_dma source(%arg19 : memref<384xf32, #tpu.memory_space<vmem>>) target(%dma_start3A_32 : memref<384xf32, #tpu.memory_space<hbm>>) target_semaphore(%run_scoped3A : memref<!tpu.dma_semaphore, #tpu.memory_space<semaphore_mem>>)
        %dma_wait3A = arith.constant 0 : i32
        %dma_wait3A_33 = tpu.memref_slice %arg8[%add3A_14, %dma_wait3A] : memref<80x384xf32, #tpu.memory_space<hbm>> -> memref<1x384xf32, #tpu.memory_space<hbm>>
        %dma_wait3A_34 = tpu.memref_squeeze %dma_wait3A_33 : memref<1x384xf32, #tpu.memory_space<hbm>> -> memref<384xf32, #tpu.memory_space<hbm>>
        %dma_wait3A_35 = arith.constant 0 : i32
        %dma_wait3A_36 = tpu.memref_slice %arg8[%add3A_14, %dma_wait3A_35] : memref<80x384xf32, #tpu.memory_space<hbm>> -> memref<1x384xf32, #tpu.memory_space<hbm>>
        %dma_wait3A_37 = tpu.memref_squeeze %dma_wait3A_36 : memref<1x384xf32, #tpu.memory_space<hbm>> -> memref<384xf32, #tpu.memory_space<hbm>>
        tpu.wait_dma2 semaphore(%run_scoped3A : memref<!tpu.dma_semaphore, #tpu.memory_space<semaphore_mem>>) src(%arg19 : memref<384xf32, #tpu.memory_space<vmem>>) dst(%dma_wait3A_37 : memref<384xf32, #tpu.memory_space<hbm>>)
        tpu.yield
      }) : () -> ()
      "tpu.region"() ({
        %run_scoped3A = tpu.sem_alloc : memref<!tpu.dma_semaphore, #tpu.memory_space<semaphore_mem>>
        %dma_start3A = arith.constant 0 : i32
        %dma_start3A_28 = tpu.memref_slice %arg9[%add3A_14, %dma_start3A] : memref<80x384xf32, #tpu.memory_space<hbm>> -> memref<1x384xf32, #tpu.memory_space<hbm>>
        %dma_start3A_29 = tpu.memref_squeeze %dma_start3A_28 : memref<1x384xf32, #tpu.memory_space<hbm>> -> memref<384xf32, #tpu.memory_space<hbm>>
        %dma_start3A_30 = arith.constant 0 : i32
        %dma_start3A_31 = tpu.memref_slice %arg9[%add3A_14, %dma_start3A_30] : memref<80x384xf32, #tpu.memory_space<hbm>> -> memref<1x384xf32, #tpu.memory_space<hbm>>
        %dma_start3A_32 = tpu.memref_squeeze %dma_start3A_31 : memref<1x384xf32, #tpu.memory_space<hbm>> -> memref<384xf32, #tpu.memory_space<hbm>>
        tpu.enqueue_dma source(%arg20 : memref<384xf32, #tpu.memory_space<vmem>>) target(%dma_start3A_32 : memref<384xf32, #tpu.memory_space<hbm>>) target_semaphore(%run_scoped3A : memref<!tpu.dma_semaphore, #tpu.memory_space<semaphore_mem>>)
        %dma_wait3A = arith.constant 0 : i32
        %dma_wait3A_33 = tpu.memref_slice %arg9[%add3A_14, %dma_wait3A] : memref<80x384xf32, #tpu.memory_space<hbm>> -> memref<1x384xf32, #tpu.memory_space<hbm>>
        %dma_wait3A_34 = tpu.memref_squeeze %dma_wait3A_33 : memref<1x384xf32, #tpu.memory_space<hbm>> -> memref<384xf32, #tpu.memory_space<hbm>>
        %dma_wait3A_35 = arith.constant 0 : i32
        %dma_wait3A_36 = tpu.memref_slice %arg9[%add3A_14, %dma_wait3A_35] : memref<80x384xf32, #tpu.memory_space<hbm>> -> memref<1x384xf32, #tpu.memory_space<hbm>>
        %dma_wait3A_37 = tpu.memref_squeeze %dma_wait3A_36 : memref<1x384xf32, #tpu.memory_space<hbm>> -> memref<384xf32, #tpu.memory_space<hbm>>
        tpu.wait_dma2 semaphore(%run_scoped3A : memref<!tpu.dma_semaphore, #tpu.memory_space<semaphore_mem>>) src(%arg20 : memref<384xf32, #tpu.memory_space<vmem>>) dst(%dma_wait3A_37 : memref<384xf32, #tpu.memory_space<hbm>>)
        tpu.yield
      }) : () -> ()
      "tpu.region"() ({
        %run_scoped3A = tpu.sem_alloc : memref<!tpu.dma_semaphore, #tpu.memory_space<semaphore_mem>>
        %dma_start3A = arith.constant 0 : i32
        %dma_start3A_28 = tpu.memref_slice %arg10[%add3A_14, %dma_start3A] : memref<80x384xf32, #tpu.memory_space<hbm>> -> memref<1x384xf32, #tpu.memory_space<hbm>>
        %dma_start3A_29 = tpu.memref_squeeze %dma_start3A_28 : memref<1x384xf32, #tpu.memory_space<hbm>> -> memref<384xf32, #tpu.memory_space<hbm>>
        %dma_start3A_30 = arith.constant 0 : i32
        %dma_start3A_31 = tpu.memref_slice %arg10[%add3A_14, %dma_start3A_30] : memref<80x384xf32, #tpu.memory_space<hbm>> -> memref<1x384xf32, #tpu.memory_space<hbm>>
        %dma_start3A_32 = tpu.memref_squeeze %dma_start3A_31 : memref<1x384xf32, #tpu.memory_space<hbm>> -> memref<384xf32, #tpu.memory_space<hbm>>
        tpu.enqueue_dma source(%arg21 : memref<384xf32, #tpu.memory_space<vmem>>) target(%dma_start3A_32 : memref<384xf32, #tpu.memory_space<hbm>>) target_semaphore(%run_scoped3A : memref<!tpu.dma_semaphore, #tpu.memory_space<semaphore_mem>>)
        %dma_wait3A = arith.constant 0 : i32
        %dma_wait3A_33 = tpu.memref_slice %arg10[%add3A_14, %dma_wait3A] : memref<80x384xf32, #tpu.memory_space<hbm>> -> memref<1x384xf32, #tpu.memory_space<hbm>>
        %dma_wait3A_34 = tpu.memref_squeeze %dma_wait3A_33 : memref<1x384xf32, #tpu.memory_space<hbm>> -> memref<384xf32, #tpu.memory_space<hbm>>
        %dma_wait3A_35 = arith.constant 0 : i32
        %dma_wait3A_36 = tpu.memref_slice %arg10[%add3A_14, %dma_wait3A_35] : memref<80x384xf32, #tpu.memory_space<hbm>> -> memref<1x384xf32, #tpu.memory_space<hbm>>
        %dma_wait3A_37 = tpu.memref_squeeze %dma_wait3A_36 : memref<1x384xf32, #tpu.memory_space<hbm>> -> memref<384xf32, #tpu.memory_space<hbm>>
        tpu.wait_dma2 semaphore(%run_scoped3A : memref<!tpu.dma_semaphore, #tpu.memory_space<semaphore_mem>>) src(%arg21 : memref<384xf32, #tpu.memory_space<vmem>>) dst(%dma_wait3A_37 : memref<384xf32, #tpu.memory_space<hbm>>)
        tpu.yield
      }) : () -> ()
      "tpu.region"() ({
        %run_scoped3A = tpu.sem_alloc : memref<!tpu.dma_semaphore, #tpu.memory_space<semaphore_mem>>
        %dma_start3A = arith.constant 0 : i32
        %dma_start3A_28 = tpu.memref_slice %arg11[%add3A_14, %dma_start3A] : memref<80x384xf32, #tpu.memory_space<hbm>> -> memref<1x384xf32, #tpu.memory_space<hbm>>
        %dma_start3A_29 = tpu.memref_squeeze %dma_start3A_28 : memref<1x384xf32, #tpu.memory_space<hbm>> -> memref<384xf32, #tpu.memory_space<hbm>>
        %dma_start3A_30 = arith.constant 0 : i32
        %dma_start3A_31 = tpu.memref_slice %arg11[%add3A_14, %dma_start3A_30] : memref<80x384xf32, #tpu.memory_space<hbm>> -> memref<1x384xf32, #tpu.memory_space<hbm>>
        %dma_start3A_32 = tpu.memref_squeeze %dma_start3A_31 : memref<1x384xf32, #tpu.memory_space<hbm>> -> memref<384xf32, #tpu.memory_space<hbm>>
        tpu.enqueue_dma source(%arg22 : memref<384xf32, #tpu.memory_space<vmem>>) target(%dma_start3A_32 : memref<384xf32, #tpu.memory_space<hbm>>) target_semaphore(%run_scoped3A : memref<!tpu.dma_semaphore, #tpu.memory_space<semaphore_mem>>)
        %dma_wait3A = arith.constant 0 : i32
        %dma_wait3A_33 = tpu.memref_slice %arg11[%add3A_14, %dma_wait3A] : memref<80x384xf32, #tpu.memory_space<hbm>> -> memref<1x384xf32, #tpu.memory_space<hbm>>
        %dma_wait3A_34 = tpu.memref_squeeze %dma_wait3A_33 : memref<1x384xf32, #tpu.memory_space<hbm>> -> memref<384xf32, #tpu.memory_space<hbm>>
        %dma_wait3A_35 = arith.constant 0 : i32
        %dma_wait3A_36 = tpu.memref_slice %arg11[%add3A_14, %dma_wait3A_35] : memref<80x384xf32, #tpu.memory_space<hbm>> -> memref<1x384xf32, #tpu.memory_space<hbm>>
        %dma_wait3A_37 = tpu.memref_squeeze %dma_wait3A_36 : memref<1x384xf32, #tpu.memory_space<hbm>> -> memref<384xf32, #tpu.memory_space<hbm>>
        tpu.wait_dma2 semaphore(%run_scoped3A : memref<!tpu.dma_semaphore, #tpu.memory_space<semaphore_mem>>) src(%arg22 : memref<384xf32, #tpu.memory_space<vmem>>) dst(%dma_wait3A_37 : memref<384xf32, #tpu.memory_space<hbm>>)
        tpu.yield
      }) : () -> ()
    } else {
    }
    return
  }
}

module attributes {stable_mosaic.version = 14 : i64} {
  func.func @_prep_body(%arg0: memref<80x5120xf32, #tpu.memory_space<vmem>>, %arg1: memref<8x5120xf32, #tpu.memory_space<vmem>>, %arg2: memref<80x5120xf32, #tpu.memory_space<vmem>>) attributes {dimension_semantics = [], scalar_prefetch = 0 : i64, scratch_operands = 0 : i64, tpu.core_type = #tpu.core_type<tc>} {
    %get3A = arith.constant 0 : index
    %get3A_0 = arith.constant 0 : index
    %get3A_1 = vector.load %arg0[%get3A, %get3A_0] : memref<80x5120xf32, #tpu.memory_space<vmem>>, vector<80x5120xf32>
    %get3A_2 = arith.constant 0 : index
    %get3A_3 = arith.constant 0 : index
    %get3A_4 = vector.load %arg1[%get3A_2, %get3A_3] : memref<8x5120xf32, #tpu.memory_space<vmem>>, vector<1x5120xf32>
    %reduce_max3A = arith.constant dense<0xFF800000> : vector<5120xf32>
    %reduce_max3A_5 = vector.multi_reduction <maximumf>, %get3A_1, %reduce_max3A [0] : vector<80x5120xf32> to vector<5120xf32>
    %broadcast_in_dim3A = vector.shape_cast %reduce_max3A_5 : vector<5120xf32> to vector<1x5120xf32>
    %max3A = arith.maximumf %broadcast_in_dim3A, %get3A_4 : vector<1x5120xf32>
    %sub3A = vector.broadcast %max3A : vector<1x5120xf32> to vector<80x5120xf32>
    %sub3A_6 = arith.subf %get3A_1, %sub3A : vector<80x5120xf32>
    %exp3A = math.exp %sub3A_6 : vector<80x5120xf32>
    %reduce_sum3A = arith.constant dense<0.000000e+00> : vector<5120xf32>
    %reduce_sum3A_7 = vector.multi_reduction <add>, %exp3A, %reduce_sum3A [0] : vector<80x5120xf32> to vector<5120xf32>
    %broadcast_in_dim3A_8 = vector.shape_cast %reduce_sum3A_7 : vector<5120xf32> to vector<1x5120xf32>
    %sub3A_9 = arith.subf %get3A_4, %max3A : vector<1x5120xf32>
    %exp3A_10 = math.exp %sub3A_9 : vector<1x5120xf32>
    %add3A = arith.addf %broadcast_in_dim3A_8, %exp3A_10 : vector<1x5120xf32>
    %div3A = vector.broadcast %add3A : vector<1x5120xf32> to vector<80x5120xf32>
    %div3A_11 = arith.divf %exp3A, %div3A : vector<80x5120xf32>
    %iota3A = tpu.iota {dimensions = array<i32: 1>} : vector<80x5120xi32>
    %gt3A = arith.constant 5.000000e-02 : f32
    %gt3A_12 = vector.broadcast %gt3A : f32 to vector<80x5120xf32>
    %gt3A_13 = arith.cmpf ogt, %div3A_11, %gt3A_12 : vector<80x5120xf32>
    %lt3A = arith.constant 5000 : i32
    %lt3A_14 = vector.broadcast %lt3A : i32 to vector<80x5120xi32>
    %lt3A_15 = arith.cmpi slt, %iota3A, %lt3A_14 : vector<80x5120xi32>
    %and3A = arith.andi %gt3A_13, %lt3A_15 : vector<80x5120xi1>
    %jit3A = arith.constant -1.000000e+00 : f32
    %broadcast_in_dim3A_16 = vector.broadcast %jit3A : f32 to vector<80x5120xf32>
    %select_n3A = arith.select %and3A, %div3A_11, %broadcast_in_dim3A_16 : vector<80x5120xi1>, vector<80x5120xf32>
    %swap3A = arith.constant 0 : index
    %swap3A_17 = arith.constant 0 : index
    %swap3A_18 = vector.load %arg2[%swap3A, %swap3A_17] : memref<80x5120xf32, #tpu.memory_space<vmem>>, vector<80x5120xf32>
    tpu.vector_store %arg2[%swap3A, %swap3A_17], %select_n3A {strides = array<i32>} : memref<80x5120xf32, #tpu.memory_space<vmem>>, vector<80x5120xf32>,
    return
  }
}

module attributes {stable_mosaic.version = 14 : i64} {
  func.func @_nms_body(%arg0: memref<80x16xi32, #tpu.memory_space<vmem>>, %arg1: memref<80x384xf32, #tpu.memory_space<vmem>>, %arg2: memref<80x384xf32, #tpu.memory_space<vmem>>, %arg3: memref<80x384xf32, #tpu.memory_space<vmem>>, %arg4: memref<80x384xf32, #tpu.memory_space<vmem>>, %arg5: memref<80x384xf32, #tpu.memory_space<vmem>>, %arg6: memref<80x5120xf32, #tpu.memory_space<vmem>>, %arg7: memref<80x5120xf32, #tpu.memory_space<vmem>>, %arg8: memref<80x5120xf32, #tpu.memory_space<vmem>>, %arg9: memref<80x5120xf32, #tpu.memory_space<vmem>>, %arg10: memref<80x5120xf32, #tpu.memory_space<vmem>>, %arg11: memref<104x8xf32, #tpu.memory_space<vmem>>) attributes {dimension_semantics = [], scalar_prefetch = 0 : i64, scratch_operands = 0 : i64, tpu.core_type = #tpu.core_type<tc>} {
    %get3A = arith.constant 0 : index
    %get3A_0 = arith.constant 0 : index
    %get3A_1 = vector.load %arg0[%get3A, %get3A_0] : memref<80x16xi32, #tpu.memory_space<vmem>>, vector<80x1xi32>
    %reduce_max3A = vector.shape_cast %get3A_1 : vector<80x1xi32> to vector<1x80x1xi32>
    %reduce_max3A_2 = arith.constant dense<-2147483648> : vector<1xi32>
    %reduce_max3A_3 = vector.multi_reduction <maxsi>, %reduce_max3A, %reduce_max3A_2 [1, 2] : vector<1x80x1xi32> to vector<1xi32>
    %reduce_max3A_4 = vector.shape_cast %reduce_max3A_3 : vector<1xi32> to vector<1x1x1xi32>
    %reduce_max3A_5 = vector.extract %reduce_max3A_4[0, 0, 0] : i32 from vector<1x1x1xi32>
    %le3A = arith.constant 256 : i32
    %le3A_6 = arith.cmpi sle, %reduce_max3A_5, %le3A : i32
    %convert_element_type3A = arith.extui %le3A_6 : i1 to i32
    %cond3A = arith.constant 0 : i32
    %cond3A_7 = arith.cmpi ne, %convert_element_type3A, %cond3A : i32
    %cond3A_8:5 = scf.if %cond3A_7 -> (vector<80x128xf32>, vector<80x128xf32>, vector<80x128xf32>, vector<80x128xf32>, vector<80x128xf32>) {
      %iota3A_25 = tpu.iota {dimensions = array<i32: 1>} : vector<80x256xi32>
      %lt3A_26 = vector.broadcast %get3A_1 : vector<80x1xi32> to vector<80x256xi32>
      %lt3A_27 = arith.cmpi slt, %iota3A_25, %lt3A_26 : vector<80x256xi32>
      %get3A_28 = arith.constant 0 : index
      %get3A_29 = arith.constant 0 : index
      %get3A_30 = vector.load %arg1[%get3A_28, %get3A_29] : memref<80x384xf32, #tpu.memory_space<vmem>>, vector<80x256xf32>
      %jit3A_31 = arith.constant -1.000000e+00 : f32
      %broadcast_in_dim3A_32 = vector.broadcast %jit3A_31 : f32 to vector<80x256xf32>
      %select_n3A_33 = arith.select %lt3A_27, %get3A_30, %broadcast_in_dim3A_32 : vector<80x256xi1>, vector<80x256xf32>
      %get3A_34 = arith.constant 0 : index
      %get3A_35 = arith.constant 0 : index
      %get3A_36 = vector.load %arg2[%get3A_34, %get3A_35] : memref<80x384xf32, #tpu.memory_space<vmem>>, vector<80x256xf32>
      %get3A_37 = arith.constant 0 : index
      %get3A_38 = arith.constant 0 : index
      %get3A_39 = vector.load %arg3[%get3A_37, %get3A_38] : memref<80x384xf32, #tpu.memory_space<vmem>>, vector<80x256xf32>
      %get3A_40 = arith.constant 0 : index
      %get3A_41 = arith.constant 0 : index
      %get3A_42 = vector.load %arg4[%get3A_40, %get3A_41] : memref<80x384xf32, #tpu.memory_space<vmem>>, vector<80x256xf32>
      %get3A_43 = arith.constant 0 : index
      %get3A_44 = arith.constant 0 : index
      %get3A_45 = vector.load %arg5[%get3A_43, %get3A_44] : memref<80x384xf32, #tpu.memory_space<vmem>>, vector<80x256xf32>
      %iota3A_46 = tpu.iota {dimensions = array<i32: 1>} : vector<80x256xi32>
      %sub3A = arith.subf %get3A_42, %get3A_36 : vector<80x256xf32>
      %sub3A_47 = arith.subf %get3A_45, %get3A_39 : vector<80x256xf32>
      %mul3A_48 = arith.mulf %sub3A, %sub3A_47 : vector<80x256xf32>
      %iota3A_49 = tpu.iota {dimensions = array<i32: 1>} : vector<80x128xi32>
      %broadcast_in_dim3A_50 = arith.constant -1.000000e+00 : f32
      %broadcast_in_dim3A_51 = vector.broadcast %broadcast_in_dim3A_50 : f32 to vector<80x128xf32>
      %broadcast_in_dim3A_52 = arith.constant 0.000000e+00 : f32
      %broadcast_in_dim3A_53 = vector.broadcast %broadcast_in_dim3A_52 : f32 to vector<80x128xf32>
      %while3A = arith.constant 0 : i32
      %while3A_54 = arith.constant true
      %while3A_55:8 = scf.while (%while3A_56 = %select_n3A_33, %while3A_57 = %while3A, %while3A_58 = %while3A_54, %while3A_59 = %broadcast_in_dim3A_51, %while3A_60 = %broadcast_in_dim3A_53, %while3A_61 = %broadcast_in_dim3A_53, %while3A_62 = %broadcast_in_dim3A_53, %while3A_63 = %broadcast_in_dim3A_53) : (vector<80x256xf32>, i32, i1, vector<80x128xf32>, vector<80x128xf32>, vector<80x128xf32>, vector<80x128xf32>, vector<80x128xf32>) -> (vector<80x256xf32>, i32, i1, vector<80x128xf32>, vector<80x128xf32>, vector<80x128xf32>, vector<80x128xf32>, vector<80x128xf32>) {
        scf.condition(%while3A_58) %while3A_56, %while3A_57, %while3A_58, %while3A_59, %while3A_60, %while3A_61, %while3A_62, %while3A_63 : vector<80x256xf32>, i32, i1, vector<80x128xf32>, vector<80x128xf32>, vector<80x128xf32>, vector<80x128xf32>, vector<80x128xf32>
      } do {
      ^bb0(%while3A_56: vector<80x256xf32>, %while3A_57: i32, %while3A_58: i1, %while3A_59: vector<80x128xf32>, %while3A_60: vector<80x128xf32>, %while3A_61: vector<80x128xf32>, %while3A_62: vector<80x128xf32>, %while3A_63: vector<80x128xf32>):
        %reduce_max3A_64 = arith.constant dense<0xFF800000> : vector<80xf32>
        %reduce_max3A_65 = vector.multi_reduction <maximumf>, %while3A_56, %reduce_max3A_64 [1] : vector<80x256xf32> to vector<80xf32>
        %broadcast_in_dim3A_66 = vector.shape_cast %reduce_max3A_65 : vector<80xf32> to vector<80x1xf32>
        %gt3A = arith.constant 0.000000e+00 : f32
        %gt3A_67 = vector.broadcast %gt3A : f32 to vector<80x1xf32>
        %gt3A_68 = arith.cmpf ogt, %broadcast_in_dim3A_66, %gt3A_67 : vector<80x1xf32>
        %reduce_max3A_69 = vector.shape_cast %broadcast_in_dim3A_66 : vector<80x1xf32> to vector<1x80x1xf32>
        %reduce_max3A_70 = arith.constant dense<0xFF800000> : vector<1xf32>
        %reduce_max3A_71 = vector.multi_reduction <maximumf>, %reduce_max3A_69, %reduce_max3A_70 [1, 2] : vector<1x80x1xf32> to vector<1xf32>
        %reduce_max3A_72 = vector.shape_cast %reduce_max3A_71 : vector<1xf32> to vector<1x1x1xf32>
        %reduce_max3A_73 = vector.extract %reduce_max3A_72[0, 0, 0] : f32 from vector<1x1x1xf32>
        %gt3A_74 = arith.constant 0.000000e+00 : f32
        %gt3A_75 = arith.cmpf ogt, %reduce_max3A_73, %gt3A_74 : f32
        %eq3A = vector.broadcast %broadcast_in_dim3A_66 : vector<80x1xf32> to vector<80x256xf32>
        %eq3A_76 = arith.cmpf oeq, %while3A_56, %eq3A : vector<80x256xf32>
        %and3A = vector.broadcast %gt3A_68 : vector<80x1xi1> to vector<80x256xi1>
        %and3A_77 = arith.andi %eq3A_76, %and3A : vector<80x256xi1>
        %jit3A_78 = arith.constant 256 : i32
        %broadcast_in_dim3A_79 = vector.broadcast %jit3A_78 : i32 to vector<80x256xi32>
        %select_n3A_80 = arith.select %and3A_77, %iota3A_46, %broadcast_in_dim3A_79 : vector<80x256xi1>, vector<80x256xi32>
        %reduce_min3A = arith.constant dense<2147483647> : vector<80xi32>
        %reduce_min3A_81 = vector.multi_reduction <minsi>, %select_n3A_80, %reduce_min3A [1] : vector<80x256xi32> to vector<80xi32>
        %broadcast_in_dim3A_82 = vector.shape_cast %reduce_min3A_81 : vector<80xi32> to vector<80x1xi32>
        %eq3A_83 = vector.broadcast %broadcast_in_dim3A_82 : vector<80x1xi32> to vector<80x256xi32>
        %eq3A_84 = arith.cmpi eq, %iota3A_46, %eq3A_83 : vector<80x256xi32>
        %jit3A_85 = arith.constant 0.000000e+00 : f32
        %broadcast_in_dim3A_86 = vector.broadcast %jit3A_85 : f32 to vector<80x256xf32>
        %select_n3A_87 = arith.select %eq3A_84, %get3A_36, %broadcast_in_dim3A_86 : vector<80x256xi1>, vector<80x256xf32>
        %reduce_sum3A = arith.constant dense<0.000000e+00> : vector<80xf32>
        %reduce_sum3A_88 = vector.multi_reduction <add>, %select_n3A_87, %reduce_sum3A [1] : vector<80x256xf32> to vector<80xf32>
        %broadcast_in_dim3A_89 = vector.shape_cast %reduce_sum3A_88 : vector<80xf32> to vector<80x1xf32>
        %jit3A_90 = arith.constant 0.000000e+00 : f32
        %broadcast_in_dim3A_91 = vector.broadcast %jit3A_90 : f32 to vector<80x256xf32>
        %select_n3A_92 = arith.select %eq3A_84, %get3A_39, %broadcast_in_dim3A_91 : vector<80x256xi1>, vector<80x256xf32>
        %reduce_sum3A_93 = arith.constant dense<0.000000e+00> : vector<80xf32>
        %reduce_sum3A_94 = vector.multi_reduction <add>, %select_n3A_92, %reduce_sum3A_93 [1] : vector<80x256xf32> to vector<80xf32>
        %broadcast_in_dim3A_95 = vector.shape_cast %reduce_sum3A_94 : vector<80xf32> to vector<80x1xf32>
        %jit3A_96 = arith.constant 0.000000e+00 : f32
        %broadcast_in_dim3A_97 = vector.broadcast %jit3A_96 : f32 to vector<80x256xf32>
        %select_n3A_98 = arith.select %eq3A_84, %get3A_42, %broadcast_in_dim3A_97 : vector<80x256xi1>, vector<80x256xf32>
        %reduce_sum3A_99 = arith.constant dense<0.000000e+00> : vector<80xf32>
        %reduce_sum3A_100 = vector.multi_reduction <add>, %select_n3A_98, %reduce_sum3A_99 [1] : vector<80x256xf32> to vector<80xf32>
        %broadcast_in_dim3A_101 = vector.shape_cast %reduce_sum3A_100 : vector<80xf32> to vector<80x1xf32>
        %jit3A_102 = arith.constant 0.000000e+00 : f32
        %broadcast_in_dim3A_103 = vector.broadcast %jit3A_102 : f32 to vector<80x256xf32>
        %select_n3A_104 = arith.select %eq3A_84, %get3A_45, %broadcast_in_dim3A_103 : vector<80x256xi1>, vector<80x256xf32>
        %reduce_sum3A_105 = arith.constant dense<0.000000e+00> : vector<80xf32>
        %reduce_sum3A_106 = vector.multi_reduction <add>, %select_n3A_104, %reduce_sum3A_105 [1] : vector<80x256xf32> to vector<80xf32>
        %broadcast_in_dim3A_107 = vector.shape_cast %reduce_sum3A_106 : vector<80xf32> to vector<80x1xf32>
        %sub3A_108 = arith.subf %broadcast_in_dim3A_101, %broadcast_in_dim3A_89 : vector<80x1xf32>
        %sub3A_109 = arith.subf %broadcast_in_dim3A_107, %broadcast_in_dim3A_95 : vector<80x1xf32>
        %mul3A_110 = arith.mulf %sub3A_108, %sub3A_109 : vector<80x1xf32>
        %min3A = vector.broadcast %broadcast_in_dim3A_101 : vector<80x1xf32> to vector<80x256xf32>
        %min3A_111 = arith.minimumf %get3A_42, %min3A : vector<80x256xf32>
        %max3A = vector.broadcast %broadcast_in_dim3A_89 : vector<80x1xf32> to vector<80x256xf32>
        %max3A_112 = arith.maximumf %get3A_36, %max3A : vector<80x256xf32>
        %sub3A_113 = arith.subf %min3A_111, %max3A_112 : vector<80x256xf32>
        %jit3A_114 = arith.constant 0.000000e+00 : f32
        %max3A_115 = vector.broadcast %jit3A_114 : f32 to vector<80x256xf32>
        %max3A_116 = arith.maximumf %max3A_115, %sub3A_113 : vector<80x256xf32>
        %min3A_117 = vector.broadcast %broadcast_in_dim3A_107 : vector<80x1xf32> to vector<80x256xf32>
        %min3A_118 = arith.minimumf %get3A_45, %min3A_117 : vector<80x256xf32>
        %max3A_119 = vector.broadcast %broadcast_in_dim3A_95 : vector<80x1xf32> to vector<80x256xf32>
        %max3A_120 = arith.maximumf %get3A_39, %max3A_119 : vector<80x256xf32>
        %sub3A_121 = arith.subf %min3A_118, %max3A_120 : vector<80x256xf32>
        %jit3A_122 = arith.constant 0.000000e+00 : f32
        %max3A_123 = vector.broadcast %jit3A_122 : f32 to vector<80x256xf32>
        %max3A_124 = arith.maximumf %max3A_123, %sub3A_121 : vector<80x256xf32>
        %mul3A_125 = arith.mulf %max3A_116, %max3A_124 : vector<80x256xf32>
        %add3A_126 = vector.broadcast %mul3A_110 : vector<80x1xf32> to vector<80x256xf32>
        %add3A_127 = arith.addf %mul3A_48, %add3A_126 : vector<80x256xf32>
        %sub3A_128 = arith.subf %add3A_127, %mul3A_125 : vector<80x256xf32>
        %add3A_129 = arith.constant 9.99999971E-10 : f32
        %add3A_130 = vector.broadcast %add3A_129 : f32 to vector<80x256xf32>
        %add3A_131 = arith.addf %sub3A_128, %add3A_130 : vector<80x256xf32>
        %div3A = arith.divf %mul3A_125, %add3A_131 : vector<80x256xf32>
        %gt3A_132 = arith.constant 5.000000e-01 : f32
        %gt3A_133 = vector.broadcast %gt3A_132 : f32 to vector<80x256xf32>
        %gt3A_134 = arith.cmpf ogt, %div3A, %gt3A_133 : vector<80x256xf32>
        %and3A_135 = vector.broadcast %gt3A_68 : vector<80x1xi1> to vector<80x256xi1>
        %and3A_136 = arith.andi %gt3A_134, %and3A_135 : vector<80x256xi1>
        %or3A = arith.ori %and3A_136, %eq3A_84 : vector<80x256xi1>
        %jit3A_137 = arith.constant -1.000000e+00 : f32
        %broadcast_in_dim3A_138 = vector.broadcast %jit3A_137 : f32 to vector<80x256xf32>
        %select_n3A_139 = arith.select %or3A, %broadcast_in_dim3A_138, %while3A_56 : vector<80x256xi1>, vector<80x256xf32>
        %min3A_140 = arith.constant 127 : i32
        %min3A_141 = arith.minsi %while3A_57, %min3A_140 : i32
        %eq3A_142 = vector.broadcast %min3A_141 : i32 to vector<80x128xi32>
        %eq3A_143 = arith.cmpi eq, %iota3A_49, %eq3A_142 : vector<80x128xi32>
        %jit3A_144 = arith.constant -1.000000e+00 : f32
        %broadcast_in_dim3A_145 = vector.broadcast %jit3A_144 : f32 to vector<80x1xf32>
        %select_n3A_146 = arith.select %gt3A_68, %broadcast_in_dim3A_66, %broadcast_in_dim3A_145 : vector<80x1xi1>, vector<80x1xf32>
        %broadcast_in_dim3A_147 = vector.shape_cast %select_n3A_146 : vector<80x1xf32> to vector<80x1xf32>
        %broadcast_in_dim3A_148 = vector.broadcast %broadcast_in_dim3A_147 : vector<80x1xf32> to vector<80x128xf32>
        %select_n3A_149 = arith.select %eq3A_143, %broadcast_in_dim3A_148, %while3A_59 : vector<80x128xi1>, vector<80x128xf32>
        %broadcast_in_dim3A_150 = vector.shape_cast %broadcast_in_dim3A_89 : vector<80x1xf32> to vector<80x1xf32>
        %broadcast_in_dim3A_151 = vector.broadcast %broadcast_in_dim3A_150 : vector<80x1xf32> to vector<80x128xf32>
        %select_n3A_152 = arith.select %eq3A_143, %broadcast_in_dim3A_151, %while3A_60 : vector<80x128xi1>, vector<80x128xf32>
        %broadcast_in_dim3A_153 = vector.shape_cast %broadcast_in_dim3A_95 : vector<80x1xf32> to vector<80x1xf32>
        %broadcast_in_dim3A_154 = vector.broadcast %broadcast_in_dim3A_153 : vector<80x1xf32> to vector<80x128xf32>
        %select_n3A_155 = arith.select %eq3A_143, %broadcast_in_dim3A_154, %while3A_61 : vector<80x128xi1>, vector<80x128xf32>
        %broadcast_in_dim3A_156 = vector.shape_cast %broadcast_in_dim3A_101 : vector<80x1xf32> to vector<80x1xf32>
        %broadcast_in_dim3A_157 = vector.broadcast %broadcast_in_dim3A_156 : vector<80x1xf32> to vector<80x128xf32>
        %select_n3A_158 = arith.select %eq3A_143, %broadcast_in_dim3A_157, %while3A_62 : vector<80x128xi1>, vector<80x128xf32>
        %broadcast_in_dim3A_159 = vector.shape_cast %broadcast_in_dim3A_107 : vector<80x1xf32> to vector<80x1xf32>
        %broadcast_in_dim3A_160 = vector.broadcast %broadcast_in_dim3A_159 : vector<80x1xf32> to vector<80x128xf32>
        %select_n3A_161 = arith.select %eq3A_143, %broadcast_in_dim3A_160, %while3A_63 : vector<80x128xi1>, vector<80x128xf32>
        %add3A_162 = arith.constant 1 : i32
        %add3A_163 = arith.addi %while3A_57, %add3A_162 : i32
        scf.yield %select_n3A_139, %add3A_163, %gt3A_75, %select_n3A_149, %select_n3A_152, %select_n3A_155, %select_n3A_158, %select_n3A_161 : vector<80x256xf32>, i32, i1, vector<80x128xf32>, vector<80x128xf32>, vector<80x128xf32>, vector<80x128xf32>, vector<80x128xf32>
      }
      scf.yield %while3A_55#3, %while3A_55#4, %while3A_55#5, %while3A_55#6, %while3A_55#7 : vector<80x128xf32>, vector<80x128xf32>, vector<80x128xf32>, vector<80x128xf32>, vector<80x128xf32>
    } else {
      %get3A_25 = arith.constant 0 : index
      %get3A_26 = arith.constant 0 : index
      %get3A_27 = vector.load %arg6[%get3A_25, %get3A_26] : memref<80x5120xf32, #tpu.memory_space<vmem>>, vector<80x5120xf32>
      %get3A_28 = arith.constant 0 : index
      %get3A_29 = arith.constant 0 : index
      %get3A_30 = vector.load %arg7[%get3A_28, %get3A_29] : memref<80x5120xf32, #tpu.memory_space<vmem>>, vector<80x5120xf32>
      %get3A_31 = arith.constant 0 : index
      %get3A_32 = arith.constant 0 : index
      %get3A_33 = vector.load %arg8[%get3A_31, %get3A_32] : memref<80x5120xf32, #tpu.memory_space<vmem>>, vector<80x5120xf32>
      %get3A_34 = arith.constant 0 : index
      %get3A_35 = arith.constant 0 : index
      %get3A_36 = vector.load %arg9[%get3A_34, %get3A_35] : memref<80x5120xf32, #tpu.memory_space<vmem>>, vector<80x5120xf32>
      %get3A_37 = arith.constant 0 : index
      %get3A_38 = arith.constant 0 : index
      %get3A_39 = vector.load %arg10[%get3A_37, %get3A_38] : memref<80x5120xf32, #tpu.memory_space<vmem>>, vector<80x5120xf32>
      %iota3A_40 = tpu.iota {dimensions = array<i32: 1>} : vector<80x5120xi32>
      %sub3A = arith.subf %get3A_36, %get3A_30 : vector<80x5120xf32>
      %sub3A_41 = arith.subf %get3A_39, %get3A_33 : vector<80x5120xf32>
      %mul3A_42 = arith.mulf %sub3A, %sub3A_41 : vector<80x5120xf32>
      %iota3A_43 = tpu.iota {dimensions = array<i32: 1>} : vector<80x128xi32>
      %broadcast_in_dim3A_44 = arith.constant -1.000000e+00 : f32
      %broadcast_in_dim3A_45 = vector.broadcast %broadcast_in_dim3A_44 : f32 to vector<80x128xf32>
      %broadcast_in_dim3A_46 = arith.constant 0.000000e+00 : f32
      %broadcast_in_dim3A_47 = vector.broadcast %broadcast_in_dim3A_46 : f32 to vector<80x128xf32>
      %while3A = arith.constant 0 : i32
      %while3A_48 = arith.constant true
      %while3A_49:8 = scf.while (%while3A_50 = %get3A_27, %while3A_51 = %while3A, %while3A_52 = %while3A_48, %while3A_53 = %broadcast_in_dim3A_45, %while3A_54 = %broadcast_in_dim3A_47, %while3A_55 = %broadcast_in_dim3A_47, %while3A_56 = %broadcast_in_dim3A_47, %while3A_57 = %broadcast_in_dim3A_47) : (vector<80x5120xf32>, i32, i1, vector<80x128xf32>, vector<80x128xf32>, vector<80x128xf32>, vector<80x128xf32>, vector<80x128xf32>) -> (vector<80x5120xf32>, i32, i1, vector<80x128xf32>, vector<80x128xf32>, vector<80x128xf32>, vector<80x128xf32>, vector<80x128xf32>) {
        scf.condition(%while3A_52) %while3A_50, %while3A_51, %while3A_52, %while3A_53, %while3A_54, %while3A_55, %while3A_56, %while3A_57 : vector<80x5120xf32>, i32, i1, vector<80x128xf32>, vector<80x128xf32>, vector<80x128xf32>, vector<80x128xf32>, vector<80x128xf32>
      } do {
      ^bb0(%while3A_50: vector<80x5120xf32>, %while3A_51: i32, %while3A_52: i1, %while3A_53: vector<80x128xf32>, %while3A_54: vector<80x128xf32>, %while3A_55: vector<80x128xf32>, %while3A_56: vector<80x128xf32>, %while3A_57: vector<80x128xf32>):
        %reduce_max3A_58 = arith.constant dense<0xFF800000> : vector<80xf32>
        %reduce_max3A_59 = vector.multi_reduction <maximumf>, %while3A_50, %reduce_max3A_58 [1] : vector<80x5120xf32> to vector<80xf32>
        %broadcast_in_dim3A_60 = vector.shape_cast %reduce_max3A_59 : vector<80xf32> to vector<80x1xf32>
        %gt3A = arith.constant 0.000000e+00 : f32
        %gt3A_61 = vector.broadcast %gt3A : f32 to vector<80x1xf32>
        %gt3A_62 = arith.cmpf ogt, %broadcast_in_dim3A_60, %gt3A_61 : vector<80x1xf32>
        %reduce_max3A_63 = vector.shape_cast %broadcast_in_dim3A_60 : vector<80x1xf32> to vector<1x80x1xf32>
        %reduce_max3A_64 = arith.constant dense<0xFF800000> : vector<1xf32>
        %reduce_max3A_65 = vector.multi_reduction <maximumf>, %reduce_max3A_63, %reduce_max3A_64 [1, 2] : vector<1x80x1xf32> to vector<1xf32>
        %reduce_max3A_66 = vector.shape_cast %reduce_max3A_65 : vector<1xf32> to vector<1x1x1xf32>
        %reduce_max3A_67 = vector.extract %reduce_max3A_66[0, 0, 0] : f32 from vector<1x1x1xf32>
        %gt3A_68 = arith.constant 0.000000e+00 : f32
        %gt3A_69 = arith.cmpf ogt, %reduce_max3A_67, %gt3A_68 : f32
        %eq3A = vector.broadcast %broadcast_in_dim3A_60 : vector<80x1xf32> to vector<80x5120xf32>
        %eq3A_70 = arith.cmpf oeq, %while3A_50, %eq3A : vector<80x5120xf32>
        %and3A = vector.broadcast %gt3A_62 : vector<80x1xi1> to vector<80x5120xi1>
        %and3A_71 = arith.andi %eq3A_70, %and3A : vector<80x5120xi1>
        %jit3A_72 = arith.constant 5120 : i32
        %broadcast_in_dim3A_73 = vector.broadcast %jit3A_72 : i32 to vector<80x5120xi32>
        %select_n3A_74 = arith.select %and3A_71, %iota3A_40, %broadcast_in_dim3A_73 : vector<80x5120xi1>, vector<80x5120xi32>
        %reduce_min3A = arith.constant dense<2147483647> : vector<80xi32>
        %reduce_min3A_75 = vector.multi_reduction <minsi>, %select_n3A_74, %reduce_min3A [1] : vector<80x5120xi32> to vector<80xi32>
        %broadcast_in_dim3A_76 = vector.shape_cast %reduce_min3A_75 : vector<80xi32> to vector<80x1xi32>
        %eq3A_77 = vector.broadcast %broadcast_in_dim3A_76 : vector<80x1xi32> to vector<80x5120xi32>
        %eq3A_78 = arith.cmpi eq, %iota3A_40, %eq3A_77 : vector<80x5120xi32>
        %jit3A_79 = arith.constant 0.000000e+00 : f32
        %broadcast_in_dim3A_80 = vector.broadcast %jit3A_79 : f32 to vector<80x5120xf32>
        %select_n3A_81 = arith.select %eq3A_78, %get3A_30, %broadcast_in_dim3A_80 : vector<80x5120xi1>, vector<80x5120xf32>
        %reduce_sum3A = arith.constant dense<0.000000e+00> : vector<80xf32>
        %reduce_sum3A_82 = vector.multi_reduction <add>, %select_n3A_81, %reduce_sum3A [1] : vector<80x5120xf32> to vector<80xf32>
        %broadcast_in_dim3A_83 = vector.shape_cast %reduce_sum3A_82 : vector<80xf32> to vector<80x1xf32>
        %jit3A_84 = arith.constant 0.000000e+00 : f32
        %broadcast_in_dim3A_85 = vector.broadcast %jit3A_84 : f32 to vector<80x5120xf32>
        %select_n3A_86 = arith.select %eq3A_78, %get3A_33, %broadcast_in_dim3A_85 : vector<80x5120xi1>, vector<80x5120xf32>
        %reduce_sum3A_87 = arith.constant dense<0.000000e+00> : vector<80xf32>
        %reduce_sum3A_88 = vector.multi_reduction <add>, %select_n3A_86, %reduce_sum3A_87 [1] : vector<80x5120xf32> to vector<80xf32>
        %broadcast_in_dim3A_89 = vector.shape_cast %reduce_sum3A_88 : vector<80xf32> to vector<80x1xf32>
        %jit3A_90 = arith.constant 0.000000e+00 : f32
        %broadcast_in_dim3A_91 = vector.broadcast %jit3A_90 : f32 to vector<80x5120xf32>
        %select_n3A_92 = arith.select %eq3A_78, %get3A_36, %broadcast_in_dim3A_91 : vector<80x5120xi1>, vector<80x5120xf32>
        %reduce_sum3A_93 = arith.constant dense<0.000000e+00> : vector<80xf32>
        %reduce_sum3A_94 = vector.multi_reduction <add>, %select_n3A_92, %reduce_sum3A_93 [1] : vector<80x5120xf32> to vector<80xf32>
        %broadcast_in_dim3A_95 = vector.shape_cast %reduce_sum3A_94 : vector<80xf32> to vector<80x1xf32>
        %jit3A_96 = arith.constant 0.000000e+00 : f32
        %broadcast_in_dim3A_97 = vector.broadcast %jit3A_96 : f32 to vector<80x5120xf32>
        %select_n3A_98 = arith.select %eq3A_78, %get3A_39, %broadcast_in_dim3A_97 : vector<80x5120xi1>, vector<80x5120xf32>
        %reduce_sum3A_99 = arith.constant dense<0.000000e+00> : vector<80xf32>
        %reduce_sum3A_100 = vector.multi_reduction <add>, %select_n3A_98, %reduce_sum3A_99 [1] : vector<80x5120xf32> to vector<80xf32>
        %broadcast_in_dim3A_101 = vector.shape_cast %reduce_sum3A_100 : vector<80xf32> to vector<80x1xf32>
        %sub3A_102 = arith.subf %broadcast_in_dim3A_95, %broadcast_in_dim3A_83 : vector<80x1xf32>
        %sub3A_103 = arith.subf %broadcast_in_dim3A_101, %broadcast_in_dim3A_89 : vector<80x1xf32>
        %mul3A_104 = arith.mulf %sub3A_102, %sub3A_103 : vector<80x1xf32>
        %min3A = vector.broadcast %broadcast_in_dim3A_95 : vector<80x1xf32> to vector<80x5120xf32>
        %min3A_105 = arith.minimumf %get3A_36, %min3A : vector<80x5120xf32>
        %max3A = vector.broadcast %broadcast_in_dim3A_83 : vector<80x1xf32> to vector<80x5120xf32>
        %max3A_106 = arith.maximumf %get3A_30, %max3A : vector<80x5120xf32>
        %sub3A_107 = arith.subf %min3A_105, %max3A_106 : vector<80x5120xf32>
        %jit3A_108 = arith.constant 0.000000e+00 : f32
        %max3A_109 = vector.broadcast %jit3A_108 : f32 to vector<80x5120xf32>
        %max3A_110 = arith.maximumf %max3A_109, %sub3A_107 : vector<80x5120xf32>
        %min3A_111 = vector.broadcast %broadcast_in_dim3A_101 : vector<80x1xf32> to vector<80x5120xf32>
        %min3A_112 = arith.minimumf %get3A_39, %min3A_111 : vector<80x5120xf32>
        %max3A_113 = vector.broadcast %broadcast_in_dim3A_89 : vector<80x1xf32> to vector<80x5120xf32>
        %max3A_114 = arith.maximumf %get3A_33, %max3A_113 : vector<80x5120xf32>
        %sub3A_115 = arith.subf %min3A_112, %max3A_114 : vector<80x5120xf32>
        %jit3A_116 = arith.constant 0.000000e+00 : f32
        %max3A_117 = vector.broadcast %jit3A_116 : f32 to vector<80x5120xf32>
        %max3A_118 = arith.maximumf %max3A_117, %sub3A_115 : vector<80x5120xf32>
        %mul3A_119 = arith.mulf %max3A_110, %max3A_118 : vector<80x5120xf32>
        %add3A_120 = vector.broadcast %mul3A_104 : vector<80x1xf32> to vector<80x5120xf32>
        %add3A_121 = arith.addf %mul3A_42, %add3A_120 : vector<80x5120xf32>
        %sub3A_122 = arith.subf %add3A_121, %mul3A_119 : vector<80x5120xf32>
        %add3A_123 = arith.constant 9.99999971E-10 : f32
        %add3A_124 = vector.broadcast %add3A_123 : f32 to vector<80x5120xf32>
        %add3A_125 = arith.addf %sub3A_122, %add3A_124 : vector<80x5120xf32>
        %div3A = arith.divf %mul3A_119, %add3A_125 : vector<80x5120xf32>
        %gt3A_126 = arith.constant 5.000000e-01 : f32
        %gt3A_127 = vector.broadcast %gt3A_126 : f32 to vector<80x5120xf32>
        %gt3A_128 = arith.cmpf ogt, %div3A, %gt3A_127 : vector<80x5120xf32>
        %and3A_129 = vector.broadcast %gt3A_62 : vector<80x1xi1> to vector<80x5120xi1>
        %and3A_130 = arith.andi %gt3A_128, %and3A_129 : vector<80x5120xi1>
        %or3A = arith.ori %and3A_130, %eq3A_78 : vector<80x5120xi1>
        %jit3A_131 = arith.constant -1.000000e+00 : f32
        %broadcast_in_dim3A_132 = vector.broadcast %jit3A_131 : f32 to vector<80x5120xf32>
        %select_n3A_133 = arith.select %or3A, %broadcast_in_dim3A_132, %while3A_50 : vector<80x5120xi1>, vector<80x5120xf32>
        %min3A_134 = arith.constant 127 : i32
        %min3A_135 = arith.minsi %while3A_51, %min3A_134 : i32
        %eq3A_136 = vector.broadcast %min3A_135 : i32 to vector<80x128xi32>
        %eq3A_137 = arith.cmpi eq, %iota3A_43, %eq3A_136 : vector<80x128xi32>
        %jit3A_138 = arith.constant -1.000000e+00 : f32
        %broadcast_in_dim3A_139 = vector.broadcast %jit3A_138 : f32 to vector<80x1xf32>
        %select_n3A_140 = arith.select %gt3A_62, %broadcast_in_dim3A_60, %broadcast_in_dim3A_139 : vector<80x1xi1>, vector<80x1xf32>
        %broadcast_in_dim3A_141 = vector.shape_cast %select_n3A_140 : vector<80x1xf32> to vector<80x1xf32>
        %broadcast_in_dim3A_142 = vector.broadcast %broadcast_in_dim3A_141 : vector<80x1xf32> to vector<80x128xf32>
        %select_n3A_143 = arith.select %eq3A_137, %broadcast_in_dim3A_142, %while3A_53 : vector<80x128xi1>, vector<80x128xf32>
        %broadcast_in_dim3A_144 = vector.shape_cast %broadcast_in_dim3A_83 : vector<80x1xf32> to vector<80x1xf32>
        %broadcast_in_dim3A_145 = vector.broadcast %broadcast_in_dim3A_144 : vector<80x1xf32> to vector<80x128xf32>
        %select_n3A_146 = arith.select %eq3A_137, %broadcast_in_dim3A_145, %while3A_54 : vector<80x128xi1>, vector<80x128xf32>
        %broadcast_in_dim3A_147 = vector.shape_cast %broadcast_in_dim3A_89 : vector<80x1xf32> to vector<80x1xf32>
        %broadcast_in_dim3A_148 = vector.broadcast %broadcast_in_dim3A_147 : vector<80x1xf32> to vector<80x128xf32>
        %select_n3A_149 = arith.select %eq3A_137, %broadcast_in_dim3A_148, %while3A_55 : vector<80x128xi1>, vector<80x128xf32>
        %broadcast_in_dim3A_150 = vector.shape_cast %broadcast_in_dim3A_95 : vector<80x1xf32> to vector<80x1xf32>
        %broadcast_in_dim3A_151 = vector.broadcast %broadcast_in_dim3A_150 : vector<80x1xf32> to vector<80x128xf32>
        %select_n3A_152 = arith.select %eq3A_137, %broadcast_in_dim3A_151, %while3A_56 : vector<80x128xi1>, vector<80x128xf32>
        %broadcast_in_dim3A_153 = vector.shape_cast %broadcast_in_dim3A_101 : vector<80x1xf32> to vector<80x1xf32>
        %broadcast_in_dim3A_154 = vector.broadcast %broadcast_in_dim3A_153 : vector<80x1xf32> to vector<80x128xf32>
        %select_n3A_155 = arith.select %eq3A_137, %broadcast_in_dim3A_154, %while3A_57 : vector<80x128xi1>, vector<80x128xf32>
        %add3A_156 = arith.constant 1 : i32
        %add3A_157 = arith.addi %while3A_51, %add3A_156 : i32
        scf.yield %select_n3A_133, %add3A_157, %gt3A_69, %select_n3A_143, %select_n3A_146, %select_n3A_149, %select_n3A_152, %select_n3A_155 : vector<80x5120xf32>, i32, i1, vector<80x128xf32>, vector<80x128xf32>, vector<80x128xf32>, vector<80x128xf32>, vector<80x128xf32>
      }
      scf.yield %while3A_49#3, %while3A_49#4, %while3A_49#5, %while3A_49#6, %while3A_49#7 : vector<80x128xf32>, vector<80x128xf32>, vector<80x128xf32>, vector<80x128xf32>, vector<80x128xf32>
    }
    %iota3A = tpu.iota {dimensions = array<i32: 1>} : vector<80x128xi32>
    %iota3A_9 = tpu.iota {dimensions = array<i32: 0>} : vector<80x128xi32>
    %mul3A = arith.constant 128 : i32
    %mul3A_10 = vector.broadcast %mul3A : i32 to vector<80x128xi32>
    %mul3A_11 = arith.muli %iota3A_9, %mul3A_10 : vector<80x128xi32>
    %add3A = arith.addi %mul3A_11, %iota3A : vector<80x128xi32>
    %lt3A = arith.constant 100 : i32
    %lt3A_12 = vector.broadcast %lt3A : i32 to vector<80x128xi32>
    %lt3A_13 = arith.cmpi slt, %iota3A, %lt3A_12 : vector<80x128xi32>
    %jit3A = arith.constant -1.000000e+00 : f32
    %broadcast_in_dim3A = vector.broadcast %jit3A : f32 to vector<80x128xf32>
    %select_n3A = arith.select %lt3A_13, %cond3A_8#0, %broadcast_in_dim3A : vector<80x128xi1>, vector<80x128xf32>
    %iota3A_14 = tpu.iota {dimensions = array<i32: 0>} : vector<104x8xi32>
    %iota3A_15 = tpu.iota {dimensions = array<i32: 1>} : vector<104x8xi32>
    %broadcast_in_dim3A_16 = arith.constant 0.000000e+00 : f32
    %broadcast_in_dim3A_17 = vector.broadcast %broadcast_in_dim3A_16 : f32 to vector<104x8xf32>
    %scan3A = arith.constant 0 : i32
    %scan3A_18 = arith.constant 100 : i32
    %scan3A_19 = arith.addi %scan3A, %scan3A_18 : i32
    %scan3A_20 = arith.constant 1 : i32
    %scan3A_21:2 = scf.for %scan3A_25 = %scan3A to %scan3A_19 step %scan3A_20 iter_args(%scan3A_26 = %select_n3A, %scan3A_27 = %broadcast_in_dim3A_17) -> (vector<80x128xf32>, vector<104x8xf32>)  : i32 {
      %reduce_max3A_28 = vector.shape_cast %scan3A_26 : vector<80x128xf32> to vector<1x80x128xf32>
      %reduce_max3A_29 = arith.constant dense<0xFF800000> : vector<1xf32>
      %reduce_max3A_30 = vector.multi_reduction <maximumf>, %reduce_max3A_28, %reduce_max3A_29 [1, 2] : vector<1x80x128xf32> to vector<1xf32>
      %reduce_max3A_31 = vector.shape_cast %reduce_max3A_30 : vector<1xf32> to vector<1x1x1xf32>
      %reduce_max3A_32 = vector.extract %reduce_max3A_31[0, 0, 0] : f32 from vector<1x1x1xf32>
      %gt3A = arith.constant 0.000000e+00 : f32
      %gt3A_33 = arith.cmpf ogt, %reduce_max3A_32, %gt3A : f32
      %eq3A = vector.broadcast %reduce_max3A_32 : f32 to vector<80x128xf32>
      %eq3A_34 = arith.cmpf oeq, %scan3A_26, %eq3A : vector<80x128xf32>
      %jit3A_35 = arith.constant 10240 : i32
      %broadcast_in_dim3A_36 = vector.broadcast %jit3A_35 : i32 to vector<80x128xi32>
      %select_n3A_37 = arith.select %eq3A_34, %add3A, %broadcast_in_dim3A_36 : vector<80x128xi1>, vector<80x128xi32>
      %reduce_min3A = vector.shape_cast %select_n3A_37 : vector<80x128xi32> to vector<1x80x128xi32>
      %reduce_min3A_38 = arith.constant dense<2147483647> : vector<1xi32>
      %reduce_min3A_39 = vector.multi_reduction <minsi>, %reduce_min3A, %reduce_min3A_38 [1, 2] : vector<1x80x128xi32> to vector<1xi32>
      %reduce_min3A_40 = vector.shape_cast %reduce_min3A_39 : vector<1xi32> to vector<1x1x1xi32>
      %reduce_min3A_41 = vector.extract %reduce_min3A_40[0, 0, 0] : i32 from vector<1x1x1xi32>
      %eq3A_42 = vector.broadcast %reduce_min3A_41 : i32 to vector<80x128xi32>
      %eq3A_43 = arith.cmpi eq, %add3A, %eq3A_42 : vector<80x128xi32>
      %and3A = vector.broadcast %gt3A_33 : i1 to vector<80x128xi1>
      %and3A_44 = arith.andi %eq3A_43, %and3A : vector<80x128xi1>
      %jit3A_45 = arith.constant 0.000000e+00 : f32
      %select_n3A_46 = arith.select %gt3A_33, %reduce_max3A_32, %jit3A_45 : f32
      %jit3A_47 = arith.constant 0.000000e+00 : f32
      %broadcast_in_dim3A_48 = vector.broadcast %jit3A_47 : f32 to vector<80x128xf32>
      %select_n3A_49 = arith.select %and3A_44, %cond3A_8#1, %broadcast_in_dim3A_48 : vector<80x128xi1>, vector<80x128xf32>
      %reduce_sum3A = vector.shape_cast %select_n3A_49 : vector<80x128xf32> to vector<1x80x128xf32>
      %reduce_sum3A_50 = arith.constant dense<0.000000e+00> : vector<1xf32>
      %reduce_sum3A_51 = vector.multi_reduction <add>, %reduce_sum3A, %reduce_sum3A_50 [1, 2] : vector<1x80x128xf32> to vector<1xf32>
      %reduce_sum3A_52 = vector.shape_cast %reduce_sum3A_51 : vector<1xf32> to vector<1x1x1xf32>
      %reduce_sum3A_53 = vector.extract %reduce_sum3A_52[0, 0, 0] : f32 from vector<1x1x1xf32>
      %jit3A_54 = arith.constant 0.000000e+00 : f32
      %broadcast_in_dim3A_55 = vector.broadcast %jit3A_54 : f32 to vector<80x128xf32>
      %select_n3A_56 = arith.select %and3A_44, %cond3A_8#2, %broadcast_in_dim3A_55 : vector<80x128xi1>, vector<80x128xf32>
      %reduce_sum3A_57 = vector.shape_cast %select_n3A_56 : vector<80x128xf32> to vector<1x80x128xf32>
      %reduce_sum3A_58 = arith.constant dense<0.000000e+00> : vector<1xf32>
      %reduce_sum3A_59 = vector.multi_reduction <add>, %reduce_sum3A_57, %reduce_sum3A_58 [1, 2] : vector<1x80x128xf32> to vector<1xf32>
      %reduce_sum3A_60 = vector.shape_cast %reduce_sum3A_59 : vector<1xf32> to vector<1x1x1xf32>
      %reduce_sum3A_61 = vector.extract %reduce_sum3A_60[0, 0, 0] : f32 from vector<1x1x1xf32>
      %jit3A_62 = arith.constant 0.000000e+00 : f32
      %broadcast_in_dim3A_63 = vector.broadcast %jit3A_62 : f32 to vector<80x128xf32>
      %select_n3A_64 = arith.select %and3A_44, %cond3A_8#3, %broadcast_in_dim3A_63 : vector<80x128xi1>, vector<80x128xf32>
      %reduce_sum3A_65 = vector.shape_cast %select_n3A_64 : vector<80x128xf32> to vector<1x80x128xf32>
      %reduce_sum3A_66 = arith.constant dense<0.000000e+00> : vector<1xf32>
      %reduce_sum3A_67 = vector.multi_reduction <add>, %reduce_sum3A_65, %reduce_sum3A_66 [1, 2] : vector<1x80x128xf32> to vector<1xf32>
      %reduce_sum3A_68 = vector.shape_cast %reduce_sum3A_67 : vector<1xf32> to vector<1x1x1xf32>
      %reduce_sum3A_69 = vector.extract %reduce_sum3A_68[0, 0, 0] : f32 from vector<1x1x1xf32>
      %jit3A_70 = arith.constant 0.000000e+00 : f32
      %broadcast_in_dim3A_71 = vector.broadcast %jit3A_70 : f32 to vector<80x128xf32>
      %select_n3A_72 = arith.select %and3A_44, %cond3A_8#4, %broadcast_in_dim3A_71 : vector<80x128xi1>, vector<80x128xf32>
      %reduce_sum3A_73 = vector.shape_cast %select_n3A_72 : vector<80x128xf32> to vector<1x80x128xf32>
      %reduce_sum3A_74 = arith.constant dense<0.000000e+00> : vector<1xf32>
      %reduce_sum3A_75 = vector.multi_reduction <add>, %reduce_sum3A_73, %reduce_sum3A_74 [1, 2] : vector<1x80x128xf32> to vector<1xf32>
      %reduce_sum3A_76 = vector.shape_cast %reduce_sum3A_75 : vector<1xf32> to vector<1x1x1xf32>
      %reduce_sum3A_77 = vector.extract %reduce_sum3A_76[0, 0, 0] : f32 from vector<1x1x1xf32>
      %eq3A_78 = arith.constant 0 : i32
      %eq3A_79 = vector.broadcast %eq3A_78 : i32 to vector<104x8xi32>
      %eq3A_80 = arith.cmpi eq, %iota3A_15, %eq3A_79 : vector<104x8xi32>
      %jit3A_81 = arith.constant 0.000000e+00 : f32
      %broadcast_in_dim3A_82 = vector.broadcast %select_n3A_46 : f32 to vector<104x8xf32>
      %broadcast_in_dim3A_83 = vector.broadcast %jit3A_81 : f32 to vector<104x8xf32>
      %select_n3A_84 = arith.select %eq3A_80, %broadcast_in_dim3A_82, %broadcast_in_dim3A_83 : vector<104x8xi1>, vector<104x8xf32>
      %eq3A_85 = arith.constant 1 : i32
      %eq3A_86 = vector.broadcast %eq3A_85 : i32 to vector<104x8xi32>
      %eq3A_87 = arith.cmpi eq, %iota3A_15, %eq3A_86 : vector<104x8xi32>
      %jit3A_88 = arith.constant 0.000000e+00 : f32
      %broadcast_in_dim3A_89 = vector.broadcast %reduce_sum3A_53 : f32 to vector<104x8xf32>
      %broadcast_in_dim3A_90 = vector.broadcast %jit3A_88 : f32 to vector<104x8xf32>
      %select_n3A_91 = arith.select %eq3A_87, %broadcast_in_dim3A_89, %broadcast_in_dim3A_90 : vector<104x8xi1>, vector<104x8xf32>
      %add3A_92 = arith.addf %select_n3A_84, %select_n3A_91 : vector<104x8xf32>
      %eq3A_93 = arith.constant 2 : i32
      %eq3A_94 = vector.broadcast %eq3A_93 : i32 to vector<104x8xi32>
      %eq3A_95 = arith.cmpi eq, %iota3A_15, %eq3A_94 : vector<104x8xi32>
      %jit3A_96 = arith.constant 0.000000e+00 : f32
      %broadcast_in_dim3A_97 = vector.broadcast %reduce_sum3A_61 : f32 to vector<104x8xf32>
      %broadcast_in_dim3A_98 = vector.broadcast %jit3A_96 : f32 to vector<104x8xf32>
      %select_n3A_99 = arith.select %eq3A_95, %broadcast_in_dim3A_97, %broadcast_in_dim3A_98 : vector<104x8xi1>, vector<104x8xf32>
      %add3A_100 = arith.addf %add3A_92, %select_n3A_99 : vector<104x8xf32>
      %eq3A_101 = arith.constant 3 : i32
      %eq3A_102 = vector.broadcast %eq3A_101 : i32 to vector<104x8xi32>
      %eq3A_103 = arith.cmpi eq, %iota3A_15, %eq3A_102 : vector<104x8xi32>
      %jit3A_104 = arith.constant 0.000000e+00 : f32
      %broadcast_in_dim3A_105 = vector.broadcast %reduce_sum3A_69 : f32 to vector<104x8xf32>
      %broadcast_in_dim3A_106 = vector.broadcast %jit3A_104 : f32 to vector<104x8xf32>
      %select_n3A_107 = arith.select %eq3A_103, %broadcast_in_dim3A_105, %broadcast_in_dim3A_106 : vector<104x8xi1>, vector<104x8xf32>
      %add3A_108 = arith.addf %add3A_100, %select_n3A_107 : vector<104x8xf32>
      %eq3A_109 = arith.constant 4 : i32
      %eq3A_110 = vector.broadcast %eq3A_109 : i32 to vector<104x8xi32>
      %eq3A_111 = arith.cmpi eq, %iota3A_15, %eq3A_110 : vector<104x8xi32>
      %jit3A_112 = arith.constant 0.000000e+00 : f32
      %broadcast_in_dim3A_113 = vector.broadcast %reduce_sum3A_77 : f32 to vector<104x8xf32>
      %broadcast_in_dim3A_114 = vector.broadcast %jit3A_112 : f32 to vector<104x8xf32>
      %select_n3A_115 = arith.select %eq3A_111, %broadcast_in_dim3A_113, %broadcast_in_dim3A_114 : vector<104x8xi1>, vector<104x8xf32>
      %add3A_116 = arith.addf %add3A_108, %select_n3A_115 : vector<104x8xf32>
      %eq3A_117 = vector.broadcast %scan3A_25 : i32 to vector<104x8xi32>
      %eq3A_118 = arith.cmpi eq, %iota3A_14, %eq3A_117 : vector<104x8xi32>
      %select_n3A_119 = arith.select %eq3A_118, %add3A_116, %scan3A_27 : vector<104x8xi1>, vector<104x8xf32>
      %jit3A_120 = arith.constant -1.000000e+00 : f32
      %broadcast_in_dim3A_121 = vector.broadcast %jit3A_120 : f32 to vector<80x128xf32>
      %select_n3A_122 = arith.select %and3A_44, %broadcast_in_dim3A_121, %scan3A_26 : vector<80x128xi1>, vector<80x128xf32>
      scf.yield %select_n3A_122, %select_n3A_119 : vector<80x128xf32>, vector<104x8xf32>
    }
    %scan3A_22 = arith.constant 100 : i32
    %swap3A = arith.constant 0 : index
    %swap3A_23 = arith.constant 0 : index
    %swap3A_24 = vector.load %arg11[%swap3A, %swap3A_23] : memref<104x8xf32, #tpu.memory_space<vmem>>, vector<104x8xf32>
    tpu.vector_store %arg11[%swap3A, %swap3A_23], %scan3A_21#1 {strides = array<i32>} : memref<104x8xf32, #tpu.memory_space<vmem>>, vector<104x8xf32>,
    return
  }
}

</mosaic_0001>

<sc_bundles>
// kernel: kernel.5.cloned.1.call-start
scs
__scs_entry_jumppad:
0x0: {  	(pc) =	sbr.rel $0x88, $3  }
0x1: {  	(tag) =	ssettag $0x0;
	lr =	simm.s32 $0x1  }
0x2: {  	[smem:$0x3F9F] =	sst lr;
	_ =	strace $0xD0000000  }
0x3: {  	_ = 	snop  }
0x4: {  	_ = 	snop  }
0x5: {  	_ = 	snop  }
0x6: {  	_ = 	snop  }
0x7: {  	_ = 	snop  }
__scs_overlays_trampoline_lowered:
0x8: {  	[smem:$0x3FAE] =	sst s0  }
0x9: {  	[smem:$0x3FAF] =	sst s1  }
0xa: {  	[smem:$0x3FB0] =	sst s2  }
0xb: {  	[smem:$0x3FB1] =	sst s3  }
0xc: {  	[smem:$0x3FB2] =	sst s4  }
0xd: {  	[smem:$0x3FB3] =	sst s5  }
0xe: {  	[smem:$0x3FB4] =	sst s6  }
0xf: {  	[smem:$0x3FB5] =	sst s7  }
0x10: {  	[smem:$0x3FB6] =	sst s8  }
0x11: {  	[smem:$0x3FB7] =	sst s9;
	s0 =	simm.s32 @!p0 $0x0  }
0x12: {  	s1 =	sld [smem:$0x3F9D];
	s0 =	simm.s32 @p0 $0x1  }
0x13: {  	[smem:$0x3FB8] =	sst s0;
	s0 =	simm.s32 @!p1 $0x0  }
0x14: {  	s2 =	sld [smem:$0x3F9C];
	s0 =	simm.s32 @p1 $0x1  }
0x15: {  	[smem:$0x3FB9] =	sst s0;
	s0 =	simm.s32 @!p2 $0x0  }
0x16: {  	s3 =	sld [smem:$0x3FDB];
	s0 =	simm.s32 @p2 $0x1  }
0x17: {  	s4 =	simm.s32 $0x1BF5;
	[smem:$0x3FBB] =	sst s0  }
0x18: {  	s0 =	sld [smem:$0x3F9E];
	_ =	swait.ge [sflag:s4], $0x0  }
0x19: {  	s7 =	sld [smem:$0x3F9F]  }
0x1a: {  	s8 =	sadd.s32 $0xFFFFE003, lr  }
0x1b: {  	s9 =	sadd.s32 $0xFFFFFEF7, lr;
	s5 =	simm.s32 $0xFFFFFFFF;
	p2 =	slt.u32 s8, $0xFFFFF086  }
0x1c: {  	p1 =	slt.u32 s9, $0xF7A;
	s5 =	simm.s32 @!p2 $0x0  }
0x1d: {  	s5 =	simm.s32 @p1 $0x1;
	p0 =	seq.s32 s7, s2  }
0x1e: {  	s7 =	smul.u32 @!p0 $0xF7A, s2;
	p2 =	seq.s32 @!p0 s5, $0x0  }
0x1f: {  	s9 =	smul.u32 $0xF7A, s1;
	s8 =	simm.s32 @!p0 $0x1BF5;
	p2 =	por !p2, p0  }
0x20: {  	[sflag:s8] =	ssyncset.s32 @!p0 $0xFFFFF086;
	s6 =	sadd.s32 @!p0 s3, s7;
	s7 =	simm.s32 @!p0 $0x108  }
0x21: {  	s3 =	sadd.s32 s3, s9;
	s6 =	sadd.s32 @!p0 $0x88, s6;
	s7 =	simm.s32 @p2 $0x1082  }
0x22: {  	[simem:s7], [sflag:s8] =	dma.local @!p0 [hbm:s6], $0xF7A  }
0x23: {  	s9 =	sor.u32 $0xD0000000, s2;
	s6 =	simm.s32 $0x108;
	_ =	swait.ge @!p0 [sflag:s8], $0x0  }
0x24: {  	s3 =	sadd.s32 $0x88, s3;
	s6 =	simm.s32 @!p1 $0x1082;
	[sflag:s4] =	ssyncset.s32 $0xFFFFF086  }
0x25: {  	[simem:s6], [sflag:s4] =	dma.local [hbm:s3], $0xF7A  }
0x26: {  	[smem:$0x3F9F] =	sst s1;
	(tag) =	ssettag s2;
	_ =	strace s9  }
0x27: {  	s1 =	sld [smem:$0x3FAF]  }
0x28: {  	s2 =	sld [smem:$0x3FB0]  }
0x29: {  	s4 =	sld [smem:$0x3FB2]  }
0x2a: {  	p0 =	seq.s32 s5, $0x0;
	s5 =	sld [smem:$0x3FB3]  }
0x2b: {  	s6 =	sld [smem:$0x3FB4]  }
0x2c: {  	s7 =	sld [smem:$0x3FB5]  }
0x2d: {  	s3 =	simm.s32 $0x108;
	s8 =	sld [smem:$0x3FB6]  }
0x2e: {  	s3 =	simm.s32 @!p0 $0x1082;
	s9 =	sld [smem:$0x3FB7]  }
0x2f: {  	lr =	sadd.s32 s0, s3;
	s0 =	sld [smem:$0x3FAE]  }
0x30: {  	s3 =	sld [smem:$0x3FB1]  }
0x31: {  	[smem:$0x3FBA] =	sst s10  }
0x32: {  	s10 =	sld [smem:$0x3FB8];
	_ =	sdelay $0x3  }
0x33: {  	p0 =	seq.s32 s10, $0x1;
	s10 =	sld [smem:$0x3FBA];
	_ =	sdelay $0x3  }
0x34: {  	[smem:$0x3FBA] =	sst s10  }
0x35: {  	s10 =	sld [smem:$0x3FB9];
	_ =	sdelay $0x3  }
0x36: {  	p1 =	seq.s32 s10, $0x1;
	s10 =	sld [smem:$0x3FBA];
	_ =	sdelay $0x3  }
0x37: {  	[smem:$0x3FBA] =	sst s10  }
0x38: {  	s10 =	sld [smem:$0x3FBB]  }
0x39: {  	_ = 	snop;
	(pc) =	sbr.ind lr, $3  }
0x3a: {  	_ = 	snop  }
0x3b: {  	_ = 	snop  }
0x3c: {  	p2 =	seq.s32 s10, $0x1;
	s10 =	sld [smem:$0x3FBA]  }
0x3d: {  	_ =	shalt  }
0x3e: {  	_ =	shalt  }
0x3f: {  	_ =	shalt  }
0x40: {  	_ =	shalt  }
0x41: {  	_ =	shalt  }
0x42: {  	_ =	shalt  }
0x43: {  	_ =	shalt  }
0x44: {  	_ =	shalt  }
0x45: {  	_ =	shalt  }
0x46: {  	_ =	shalt  }
0x47: {  	_ =	shalt  }
0x48: {  	_ =	shalt  }
0x49: {  	_ =	shalt  }
0x4a: {  	_ =	shalt  }
0x4b: {  	_ =	shalt  }
0x4c: {  	_ =	shalt  }
0x4d: {  	_ =	shalt  }
0x4e: {  	_ =	shalt  }
0x4f: {  	_ =	shalt  }
0x50: {  	_ =	shalt  }
0x51: {  	_ =	shalt  }
0x52: {  	_ =	shalt  }
0x53: {  	_ =	shalt  }
0x54: {  	_ =	shalt  }
0x55: {  	_ =	shalt  }
0x56: {  	_ =	shalt  }
0x57: {  	_ =	shalt  }
0x58: {  	_ =	shalt  }
0x59: {  	_ =	shalt  }
0x5a: {  	_ =	shalt  }
0x5b: {  	_ =	shalt  }
0x5c: {  	_ =	shalt  }
0x5d: {  	_ =	shalt  }
0x5e: {  	_ =	shalt  }
0x5f: {  	_ =	shalt  }
0x60: {  	_ =	shalt  }
0x61: {  	_ =	shalt  }
0x62: {  	_ =	shalt  }
0x63: {  	_ =	shalt  }
0x64: {  	_ =	shalt  }
0x65: {  	_ =	shalt  }
0x66: {  	_ =	shalt  }
0x67: {  	_ =	shalt  }
0x68: {  	_ =	shalt  }
0x69: {  	_ =	shalt  }
0x6a: {  	_ =	shalt  }
0x6b: {  	_ =	shalt  }
0x6c: {  	_ =	shalt  }
0x6d: {  	_ =	shalt  }
0x6e: {  	_ =	shalt  }
0x6f: {  	_ =	shalt  }
0x70: {  	_ =	shalt  }
0x71: {  	_ =	shalt  }
0x72: {  	_ =	shalt  }
0x73: {  	_ =	shalt  }
0x74: {  	_ =	shalt  }
0x75: {  	_ =	shalt  }
0x76: {  	_ =	shalt  }
0x77: {  	_ =	shalt  }
0x78: {  	_ =	shalt  }
0x79: {  	_ =	shalt  }
0x7a: {  	_ =	shalt  }
0x7b: {  	_ =	shalt  }
0x7c: {  	_ =	shalt  }
0x7d: {  	_ =	shalt  }
0x7e: {  	_ =	shalt  }
0x7f: {  	_ =	shalt  }
0x80: {  	_ =	shalt  }
0x81: {  	_ =	shalt  }
0x82: {  	_ =	shalt  }
0x83: {  	_ =	shalt  }
0x84: {  	_ =	shalt  }
0x85: {  	_ =	shalt  }
0x86: {  	_ =	shalt  }
0x87: {  	_ =	shalt  }
.Lfunc_end0:
.L_simem_size_0:
called_computation_lowered:
.L_overlay_start_0:
0x88: {  	s2 =	sld [smem:$0x3FD9]  }
0x89: {  	s3 =	sld [smem:$0x3FFE];
	_ =	sdelay $0x1  }
0x8a: {  	s1 =	srdreg.scid  }
0x8b: {  	s0 =	sand.u32 $0x1, s1  }
0x8c: {  	s16 =	sshll.u32 s0, $0xA;
	s2 =	sadd.s32 s3, s2  }
0x8d: {  	s2 =	sadd.s32 s2, s16  }
0x8e: {  	[smem:$0x3FC6] =	sst s2  }
0x8f: {  	_ = 	snop  }
0x90: {  	(tm) =	ssettm $0x1  }
0x91: {  	s17 =	sld [smem:$0x3FFB];
	_ =	sdelay $0x3  }
0x92: {  	_ =	strace s17  }
0x93: {  	s2 =	sld [smem:$0x3FFC];
	_ =	sdelay $0x3  }
0x94: {  	_ =	strace s2  }
0x95: {  	s2 =	sld [smem:$0x3FFD];
	_ =	sdelay $0x3  }
0x96: {  	_ =	strace s2  }
0x97: {  	_ =	strace $0x8FFFFFFF  }
0x98: {  	s18 =	sld [smem:$0x3FDB];
	_ =	sdelay $0x1  }
0x99: {  	s19 =	simm.s32 $_scs_section_size  }
0x9a: {  	s4 =	simm.s32 $_size__tile_overlayer_lowered;
	s5 =	simm.s32 $_tile_overlayer_lowered  }
0x9b: {  	s22 =	simm.s32 $0x1BFF;
	s21 =	sshll.u32 s5, $0x1;
	s2 =	sadd.s32 s19, s18  }
0x9c: {  	s6 =	simm.s32 $0x0;
	s20 =	sshll.u32 s4, $0x1;
	s4 =	sadd.s32 s21, s2  }
0x9d: {  	[timem:s6], [sflag:s22] =	dma.local [hbm:s4], s20  }
0x9e: {  	_ =	swait.ge [sflag:s22], s20  }
0x9f: {  	s3 =	ssub.s32 $0x0, s20;
	[sflag:s22] =	ssyncset.done $0x0  }
0xa0: {  	[sflag:s22] =	ssyncadd.s32 s3;
	_ =	sdelay $0x1  }
0xa1: {  	s23 =	simm.s32 $0x1B8B  }
0xa2: {  	_ =	swait.ge [sflag:s23], $0x1  }
0xa3: {  	[sflag:s23] =	ssyncset.done $0x0  }
0xa4: {  	s25 =	simm.s32 $0x1B8E;
	s24 =	sld [smem:$0x3FFE];
	[sflag:s23] =	ssyncadd.s32 $0xFFFFFFFF  }
0xa5: {  	s26 =	simm.s32 $execute0_lowered;
	[smem:$0x3FD2] =	sst s25  }
0xa6: {  	s4 =	sshll.u32 s26, $0x1;
	_ =	strace $0x80000046;
	[dreg:$0x1] =	wrdreg $0xFFFFFFFF  }
0xa7: {  	s28 =	simm.s32 $_size_execute0_lowered;
	s2 =	sadd.s32 s2, s4;
	[dreg:$0x0] =	wrdreg $0x0  }
0xa8: {  	s4 =	sshll.u32 s28, $0x1;
	[dreg:$0x2] =	wrdreg s2  }
0xa9: {  	[dreg:$0x3] =	wrdreg s4  }
0xaa: {  	[dreg:$0x4] =	wrdreg $0xC0  }
0xab: {  	_ =	task [dreg:s6], $0x5FFFF  }
0xac: {  	[dreg:$0x1] =	wrdreg $0xFFFFFFFF  }
0xad: {  	[dreg:$0x0] =	wrdreg $0x60  }
0xae: {  	[dreg:$0x2] =	wrdreg s24  }
0xaf: {  	[dreg:$0x3] =	wrdreg $0x9  }
0xb0: {  	_ =	task.clear_ibuf [dreg:s6], $0x4FFFF;
	_ =	strace $0x90000046  }
0xb1: {  	s29 =	simm.s32 $0x9;
	_ =	strace $0x80000048  }
0xb2: {  	_ =	swait.ge [sflag:s29], $0x1  }
0xb3: {  	[sflag:s29] =	ssyncadd.s32 $0xFFFFFFFF  }
0xb4: {  	_ =	strace $0x90000048  }
0xb5: {  	_ =	sfence  }
0xb6: {  	s30 =	sld [smem:$0x0];
	_ =	sdelay $0x2  }
0xb7: {  	s31 =	sshll.u32 s1, $0xD;
	s1 =	sshrl.u32 s1, $0x2  }
0xb8: {  	s3 =	sand.u32 $0x4000, s31;
	s1 =	sadd.s32 s1, s30  }
0xb9: {  	s0 =	sor.u32 s3, s0;
	s1 =	sshll.u32 s1, $0x11  }
0xba: {  	s0 =	sor.u32 s1, s0  }
0xbb: {  	s0 =	sadd.s32 $0x8F2B, s0  }
0xbc: {  	[sflag:s0] =	ssyncadd.remote.s32 $0x1  }
0xbd: {  	_ =	sfence.sel $0xFFFF  }
0xbe: {  	[dreg:$0x0] =	wrdreg $0xFFFFFFFF;
	(pc) =	sbr.abs _section_cstart, $3  }
0xbf: {  	[dreg:$0x1] =	wrdreg $0xFFFFFFFF  }
0xc0: {  	_ =	task.clear_ibuf [dreg:s6], $0x2FFFF;
	_ =	strace $0x9FFFFFFF  }
0xc1: {  	(tm) =	ssettm $0x7FFFFFFF  }
tec
execute0_lowered:
.L_overlay_start_1:
0x0: {  	(tag) =	ssettag $0x1  }
0x1: {  	s1 =	rddreg [dreg:$0x0]  }
0x2: {  	s0 =	srdreg.scid;
	s16 =	stileid.u32;
	s2 =	sadd.s32 $0x34600, s1  }
0x3: {  	s0 =	sand.u32 $0x1, s0;
	s5 =	sshrl.u32 s16, $0x2;
	s6 =	sshll.u32 s16, $0x8  }
0x4: {  	s7 =	sshll.u32 s0, $0x7;
	s6 =	sand.u32 $0x300, s6;
	s8 =	smul.u32 $0xA000, s5  }
0x5: {  	s3 =	sadd.s32 $0x27E00, s1;
	s4 =	sadd.s32 $0xEE00, s1;
	s6 =	sor.u32 s7, s6  }
0x6: {  	s9 =	sadd.s32 $0x1B600, s1;
	s11 =	sadd.s32 $0x45E00, s1;
	s8 =	sor.u32 s8, s6  }
0x7: {  	s0 =	ssub.s32 $0x2, s0;
	s21 =	sshll.u32 s5, $0xA;
	s8 =	sshrl.u32 s8, $0x3  }
0x8: {  	s7 =	sadd.s32 $0x2600, s1;
	s10 =	sshrl.u32 s0, $0x1;
	s19 =	sadd.s32 s2, s8  }
0x9: {  	s0 =	ssub.s32 s0, s10;
	s20 =	sadd.s32 s3, s8;
	[dreg:$0x2] =	wrdreg s19  }
0xa: {  	s10 =	sor.u32 $0x4, s5;
	s12 =	sadd.s32 s4, s8;
	[dreg:$0x3] =	wrdreg s20  }
0xb: {  	s13 =	smul.u32 $0xA000, s10;
	s14 =	sadd.s32 s9, s8;
	[dreg:$0x4] =	wrdreg s12  }
0xc: {  	s22 =	sor.u32 s21, s6;
	s8 =	sadd.s32 s7, s8;
	[dreg:$0x5] =	wrdreg s14  }
0xd: {  	[dreg:$0x6] =	wrdreg s8;
	s8 =	sshrl.u32 s22, $0x3;
	s23 =	sor.u32 s6, s13  }
0xe: {  	s19 =	sshll.u32 s10, $0xA;
	s8 =	sadd.s32 s11, s8;
	s24 =	sshrl.u32 s23, $0x3  }
0xf: {  	s20 =	sor.u32 s6, s19;
	s19 =	simm.s32 $0x0;
	[dreg:$0x7] =	wrdreg s8  }
0x10: {  	s31 =	simm.s32 $0x1;
	s26 =	sadd.s32 s2, s24;
	[smem:$0x7FF] =	sst s19  }
0x11: {  	p0 =	sgt.u32 s16, $0x7;
	s15 =	sadd.s32 s3, s24;
	[dreg:$0x8] =	wrdreg s26  }
0x12: {  	s13 =	sor.u32 $0x8, s5;
	s17 =	sadd.s32 s4, s24;
	[dreg:$0x9] =	wrdreg s15  }
0x13: {  	s25 =	smul.u32 $0xA000, s13;
	s18 =	sadd.s32 s9, s24;
	[dreg:$0xa] =	wrdreg s17  }
0x14: {  	s16 =	simm.s32 $0x80;
	s8 =	sadd.s32 s7, s24;
	[dreg:$0xb] =	wrdreg s18  }
0x15: {  	s12 =	sor.u32 s6, s25;
	[dreg:$0xc] =	wrdreg s8;
	s26 =	smul.u32 $0xC00, s5  }
0x16: {  	s25 =	sshll.u32 s13, $0xA;
	s5 =	sshrl.u32 s20, $0x3;
	s8 =	smul.u32 $0xC00, s13  }
0x17: {  	s12 =	sshrl.u32 s12, $0x3;
	s17 =	sadd.s32 s11, s5;
	s5 =	simm.s32 $0x6A00  }
0x18: {  	s2 =	sadd.s32 s2, s12;
	s21 =	sadd.s32 s3, s12;
	s22 =	sadd.s32 s4, s12  }
0x19: {  	s23 =	sadd.s32 s9, s12;
	s24 =	sadd.s32 s7, s12;
	[dreg:$0xd] =	wrdreg s2  }
0x1a: {  	s7 =	smul.u32 $0xC00, s10;
	s3 =	sor.u32 s26, s6;
	[dreg:$0xe] =	wrdreg s21  }
0x1b: {  	s9 =	sadd.s32 $0x40E00, s1;
	s10 =	sadd.s32 $0x41E00, s1;
	[dreg:$0xf] =	wrdreg s22  }
0x1c: {  	s12 =	sadd.s32 $0x43E00, s1;
	[dreg:$0x10] =	wrdreg s23;
	s2 =	sor.u32 s6, s25  }
0x1d: {  	[dreg:$0x11] =	wrdreg s24;
	s3 =	sshrl.u32 s3, $0x3;
	s2 =	sshrl.u32 s2, $0x3  }
0x1e: {  	s4 =	sor.u32 s6, s7;
	s20 =	sadd.s32 s9, s3;
	s21 =	sadd.s32 s10, s3  }
0x1f: {  	v0 =	vimm.s32 $0xEDCBA987;
	v1 =	vimm.s32 $0x65432100;
	v3 =	vimm.s32 $0xDCBA9876;
	s23 =	sadd.s32 s12, s3;
	s7 =	simm.s32 $0x0;
	s2 =	sadd.s32 s11, s2  }
0x20: {  	v4 =	vimm.s32 $0x54321000;
	v5 =	vimm.s32 $0xBA987654;
	v6 =	vimm.s32 $0xE40000;
	s11 =	sadd.s32 $0x42E00, s1;
	s1 =	sadd.s32 $0x44E00, s1;
	s4 =	sshrl.u32 s4, $0x3  }
0x21: {  	v7 =	vimm.s32 $0x32100000;
	vm0 =	vmmov $0x3;
	vm2 =	vcmask $0x3F30;
	[dreg:$0x12] =	wrdreg s2;
	s2 =	sor.u32 s6, s8;
	s22 =	sadd.s32 s11, s3  }
0x22: {  	vm1 =	vmmov $0xf;
	v0 =	vunpack.c.l.s4.s8 v0;
	v1 =	vunpack.c.l.s4.s8 v1;
	s24 =	sadd.s32 s1, s3;
	s25 =	sadd.s32 s9, s4;
	s26 =	sadd.s32 s10, s4  }
0x23: {  	v3 =	vunpack.c.l.s4.s8 v3;
	v4 =	vunpack.c.l.s4.s8 v4;
	v6 =	vunpack.c.l.s2.s4 v6;
	s28 =	sadd.s32 s11, s4;
	s29 =	sadd.s32 s12, s4;
	s2 =	sshrl.u32 s2, $0x3  }
0x24: {  	v5 =	vunpack.c.l.s4.s8 v5;
	v7 =	vunpack.c.l.s4.s8 v7;
	v2 =	vunpack.c.0.s8.s32 v0;
	s30 =	sadd.s32 s1, s4;
	s3 =	simm.s32 $0x6700;
	s13 =	sadd.s32 s9, s2  }
0x25: {  	v0 =	vimm.f32 $0.0e+00;
	v3 =	vunpack.c.0.s8.s32 v3;
	v6 =	vunpack.c.l.s4.s8 v6;
	s4 =	simm.s32 $0x6880;
	s14 =	sadd.s32 s10, s2;
	[dreg:$0x13] =	wrdreg s13  }
0x26: {  	v1 =	vunpack.c.0.s8.s32 v1;
	v4 =	vunpack.c.0.s8.s32 v4;
	v5 =	vunpack.c.0.s8.s32 v5;
	s6 =	simm.s32 $0x6B80;
	s15 =	sadd.s32 s11, s2;
	[dreg:$0x14] =	wrdreg s14  }
.Ltmp0:
0x27: {  	v2 =	vand.u32 $0xF, v2;
	v3 =	vand.u32 $0xF, v3;
	v6 =	vunpack.c.0.s8.s32 v6;
	s18 =	sadd.s32 s12, s2;
	[dreg:$0x15] =	wrdreg s15;
	(pc) =	sbr.rel .LBB2_1-.Ltmp0, $4  }
0x28: {  	v3 =	vcombine.low v4, v3;
	v4 =	vunpack.c.0.s8.s32 v7;
	v7 =	vimm.s32 $0x7060504;
	s1 =	sadd.s32 s1, s2;
	s12 =	simm.s32 $0x2800;
	[dreg:$0x16] =	wrdreg s18  }
0x29: {  	v5 =	vand.u32 $0xF, v5;
	v1 =	vcombine.low v1, v2;
	v7 =	vunpack.c.0.s8.s32 v7;
	s2 =	simm.s32 $0x6580;
	[dreg:$0x17] =	wrdreg s1;
	s15 =	smax.u32 s0, $0x1  }
0x2a: {  	v2 =	vimm.s32 $0x0;
	v6 =	vand.u32 $0x3, v6;
	v4 =	vcombine.low v4, v5;
	s18 =	simm.s32 $0x400;
	s0 =	simm.s32 $0x1400;
	s13 =	simm.s32 $0x3C00  }
0x2b: {  	v5 =	vlaneseq.u32;
	v6 =	vsel vm2, v7, v6;
	vm2 =	vmmov $0xff;
	s14 =	simm.s32 $0x5000;
	s1 =	simm.s32 $0x6400;
	_ =	strace $0x80000047  }
.LBB2_9:
0x2c: {  	s7 =	sadd.s32 $0x1, s7  }
0x2d: {  	p1 =	sne.s32 s7, s15  }
.Ltmp1:
0x2e: {  	_ = 	snop;
	(pc) =	sbr.rel @!p1 .LBB2_10-.Ltmp1, $1  }
0x2f: {  	_ =	sdelay $0x3  }
.LBB2_1:
0x30: {  	s8 =	rddreg [dreg:$0x2]  }
0x31: {  	[tilespmem:s19], [sflag:$0x1] =	stream.strided.gather [hbm4b:s8+s16], $0x1400, s18, s16, $0x38;
	[tilespmem:$0x6C00] =	vst v63  }
0x32: {  	_ =	swait.ge [sflag:s31], $0x1400  }
0x33: {  	[sflag:s31] =	ssyncset.done $0x0  }
0x34: {  	s11 =	rddreg [dreg:$0x3];
	[sflag:s31] =	ssyncadd.s32 $0xFFFFEC00  }
0x35: {  	[tilespmem:s0], [sflag:$0x1] =	stream.strided.gather [hbm4b:s11+s16], $0x1400, s18, s16, $0x38;
	[tilespmem:$0x6C00] =	vst v63  }
0x36: {  	_ =	swait.ge [sflag:s31], $0x1400  }
0x37: {  	[sflag:s31] =	ssyncset.done $0x0  }
0x38: {  	s9 =	rddreg [dreg:$0x4];
	[sflag:s31] =	ssyncadd.s32 $0xFFFFEC00  }
0x39: {  	[tilespmem:s12], [sflag:$0x1] =	stream.strided.gather [hbm4b:s9+s16], $0x1400, s18, s16, $0x38;
	[tilespmem:$0x6C00] =	vst v63  }
0x3a: {  	_ =	swait.ge [sflag:s31], $0x1400  }
0x3b: {  	[sflag:s31] =	ssyncset.done $0x0  }
0x3c: {  	s10 =	rddreg [dreg:$0x5];
	[sflag:s31] =	ssyncadd.s32 $0xFFFFEC00  }
0x3d: {  	[tilespmem:s13], [sflag:$0x1] =	stream.strided.gather [hbm4b:s10+s16], $0x1400, s18, s16, $0x38;
	[tilespmem:$0x6C00] =	vst v63  }
0x3e: {  	_ =	swait.ge [sflag:s31], $0x1400  }
0x3f: {  	[sflag:s31] =	ssyncset.done $0x0  }
0x40: {  	s11 =	rddreg [dreg:$0x6];
	[sflag:s31] =	ssyncadd.s32 $0xFFFFEC00  }
0x41: {  	[tilespmem:s14], [sflag:$0x1] =	stream.strided.gather [hbm4b:s11+s16], $0x1400, s18, s16, $0x38;
	[tilespmem:$0x6C00] =	vst v63  }
0x42: {  	_ =	swait.ge [sflag:s31], $0x1400  }
0x43: {  	[sflag:s31] =	ssyncset.done $0x0  }
0x44: {  	s8 =	simm.s32 $0x0;
	s9 =	simm.s32 $0x0;
	[sflag:s31] =	ssyncadd.s32 $0xFFFFEC00  }
.LBB2_2:
0x45: {  	s10 =	sshra.s32 s9, $0x2  }
0x46: {  	v7 =	vld [tilespmem:s10+$0x0];
	_ =	sdelay $0x4  }
0x47: {  	vm3 =	vgt.f32 v7, $0.0e+00  }
0x48: {  	v8 =	vsel vm3, $0x3F800000, v0  }
0x49: {  	(xrf2) =	vadd.scan.msk.f32 $0xffff, v8;
	_ =	sdelay $0x9  }
0x4a: {  	v8, _, _ =	vpop (xrf2)  }
0x4b: {  	(v2sf) =	vpush v8, $0xF;
	_ =	sdelay $0xe  }
0x4c: {  	s11 =	spop (v2sf)  }
0x4d: {  	s11 =	scvt.f32.s32 s11;
	_ =	sdelay $0x1  }
0x4e: {  	p1 =	slt.s32 s11, $0x1  }
0x4f: {  	v8 =	vsel @!p1 vm3, $0x1, v2  }
0x50: {  	v9 =	vperm.xlane @!p1 v8, v1  }
0x51: {  	vm4 =	veq.s32 @!p1 v5, $0x0  }
0x52: {  	v9 =	vsel @!p1 vm4, $0x0, v9  }
0x53: {  	v8 =	vadd.s32 @!p1 v8, v9  }
0x54: {  	v9 =	vperm.xlane @!p1 v8, v3;
	_ =	sdelay $0x1  }
0x55: {  	v9 =	vsel @!p1 vm0, $0x0, v9  }
0x56: {  	v8 =	vadd.s32 @!p1 v9, v8  }
0x57: {  	v9 =	vperm.xlane @!p1 v8, v4;
	_ =	sdelay $0x1  }
0x58: {  	v9 =	vsel @!p1 vm1, $0x0, v9  }
0x59: {  	v8 =	vadd.s32 @!p1 v9, v8;
	v9 =	vmov @!p1 s8  }
0x5a: {  	v10 =	vperm.xlane @!p1 v8, v6;
	v9 =	vadd.s32 @!p1 $0xFFFFFFFF, v9  }
0x5b: {  	v9 =	vbroadcast @!p1 v9, $0x0  }
0x5c: {  	v10 =	vsel @!p1 vm2, $0x0, v10  }
0x5d: {  	v9 =	vadd.s32 @!p1 v10, v9  }
0x5e: {  	v8 =	vadd.s32 @!p1 v8, v9  }
0x5f: {  	vm4 =	vlt.s32 @!p1 v8, $0x180  }
0x60: {  	vm3 =	vmand @!p1 vm3, vm4;
	_ =	sdelay $0x5  }
0x61: {  	[tilespmem:v8+s1+$0x0] =	vst.idx.msk @!p1 vm3, v7  }
0x62: {  	v7 =	vld @!p1 [tilespmem:s10+$0x1400];
	_ =	sdelay $0x4  }
0x63: {  	[tilespmem:v8+s2+$0x0] =	vst.idx.msk @!p1 vm3, v7  }
0x64: {  	v7 =	vld @!p1 [tilespmem:s10+$0x2800];
	_ =	sdelay $0x4  }
0x65: {  	[tilespmem:v8+s3+$0x0] =	vst.idx.msk @!p1 vm3, v7  }
0x66: {  	v7 =	vld @!p1 [tilespmem:s10+$0x3C00];
	_ =	sdelay $0x4  }
0x67: {  	[tilespmem:v8+s4+$0x0] =	vst.idx.msk @!p1 vm3, v7  }
0x68: {  	v7 =	vld @!p1 [tilespmem:s10+$0x5000];
	_ =	sdelay $0x3  }
0x69: {  	s9 =	sadd.s32 $0x40, s9  }
0x6a: {  	[tilespmem:v8+s5+$0x0] =	vst.idx.msk @!p1 vm3, v7;
	p1 =	sne.s32 s9, $0x5000  }
.Ltmp2:
0x6b: {  	_ = 	snop;
	(pc) =	sbr.rel @p1 .LBB2_2-.Ltmp2, $2  }
0x6c: {  	_ =	sdelay $0x2  }
0x6d: {  	s8 =	sadd.s32 s11, s8  }
0x6e: {  	v7 =	vmov s8  }
0x6f: {  	s8 =	simm.s32 $0x0;
	s9 =	rddreg [dreg:$0x7];
	[tilespmem:$0x6B80] =	vst v7  }
0x70: {  	[hbm4b:s9+s8] =	stream.linear.scatter [tilespmem:s6], [sflag:$0x1], $0x80, $0x38;
	[tilespmem:$0x6C00] =	vst v63  }
0x71: {  	_ =	swait.ge [sflag:s31], $0x80  }
0x72: {  	[sflag:s31] =	ssyncset.done $0x0  }
0x73: {  	[sflag:s31] =	ssyncadd.s32 $0xFFFFFF80  }
0x74: {  	[hbm4b:s20+s16] =	stream.strided.scatter [tilespmem:s1], [sflag:$0x1], $0x180, s18, s16, $0x38;
	[tilespmem:$0x6C00] =	vst v63  }
0x75: {  	_ =	swait.ge [sflag:s31], $0x180  }
0x76: {  	[sflag:s31] =	ssyncset.done $0x0  }
0x77: {  	[sflag:s31] =	ssyncadd.s32 $0xFFFFFE80  }
0x78: {  	[hbm4b:s21+s16] =	stream.strided.scatter [tilespmem:s2], [sflag:$0x1], $0x180, s18, s16, $0x38;
	[tilespmem:$0x6C00] =	vst v63  }
0x79: {  	_ =	swait.ge [sflag:s31], $0x180  }
0x7a: {  	[sflag:s31] =	ssyncset.done $0x0  }
0x7b: {  	[sflag:s31] =	ssyncadd.s32 $0xFFFFFE80  }
0x7c: {  	[hbm4b:s22+s16] =	stream.strided.scatter [tilespmem:s3], [sflag:$0x1], $0x180, s18, s16, $0x38;
	[tilespmem:$0x6C00] =	vst v63  }
0x7d: {  	_ =	swait.ge [sflag:s31], $0x180  }
0x7e: {  	[sflag:s31] =	ssyncset.done $0x0  }
0x7f: {  	[sflag:s31] =	ssyncadd.s32 $0xFFFFFE80  }
0x80: {  	[hbm4b:s23+s16] =	stream.strided.scatter [tilespmem:s4], [sflag:$0x1], $0x180, s18, s16, $0x38;
	[tilespmem:$0x6C00] =	vst v63  }
0x81: {  	_ =	swait.ge [sflag:s31], $0x180  }
0x82: {  	[sflag:s31] =	ssyncset.done $0x0  }
0x83: {  	[sflag:s31] =	ssyncadd.s32 $0xFFFFFE80  }
0x84: {  	[hbm4b:s24+s16] =	stream.strided.scatter [tilespmem:s5], [sflag:$0x1], $0x180, s18, s16, $0x38;
	[tilespmem:$0x6C00] =	vst v63  }
0x85: {  	_ =	swait.ge [sflag:s31], $0x180  }
0x86: {  	[sflag:s31] =	ssyncset.done $0x0  }
0x87: {  	s11 =	rddreg [dreg:$0x8];
	[sflag:s31] =	ssyncadd.s32 $0xFFFFFE80  }
0x88: {  	[tilespmem:s8], [sflag:$0x1] =	stream.strided.gather [hbm4b:s11+s16], $0x1400, s18, s16, $0x38;
	[tilespmem:$0x6C00] =	vst v63  }
0x89: {  	_ =	swait.ge [sflag:s31], $0x1400  }
0x8a: {  	[sflag:s31] =	ssyncset.done $0x0  }
0x8b: {  	s10 =	rddreg [dreg:$0x9];
	[sflag:s31] =	ssyncadd.s32 $0xFFFFEC00  }
0x8c: {  	[tilespmem:s0], [sflag:$0x1] =	stream.strided.gather [hbm4b:s10+s16], $0x1400, s18, s16, $0x38;
	[tilespmem:$0x6C00] =	vst v63  }
0x8d: {  	_ =	swait.ge [sflag:s31], $0x1400  }
0x8e: {  	[sflag:s31] =	ssyncset.done $0x0  }
0x8f: {  	s11 =	rddreg [dreg:$0xa];
	[sflag:s31] =	ssyncadd.s32 $0xFFFFEC00  }
0x90: {  	[tilespmem:s12], [sflag:$0x1] =	stream.strided.gather [hbm4b:s11+s16], $0x1400, s18, s16, $0x38;
	[tilespmem:$0x6C00] =	vst v63  }
0x91: {  	_ =	swait.ge [sflag:s31], $0x1400  }
0x92: {  	[sflag:s31] =	ssyncset.done $0x0  }
0x93: {  	s10 =	rddreg [dreg:$0xb];
	[sflag:s31] =	ssyncadd.s32 $0xFFFFEC00  }
0x94: {  	[tilespmem:s13], [sflag:$0x1] =	stream.strided.gather [hbm4b:s10+s16], $0x1400, s18, s16, $0x38;
	[tilespmem:$0x6C00] =	vst v63  }
0x95: {  	_ =	swait.ge [sflag:s31], $0x1400  }
0x96: {  	[sflag:s31] =	ssyncset.done $0x0  }
0x97: {  	s11 =	rddreg [dreg:$0xc];
	[sflag:s31] =	ssyncadd.s32 $0xFFFFEC00  }
0x98: {  	[tilespmem:s14], [sflag:$0x1] =	stream.strided.gather [hbm4b:s11+s16], $0x1400, s18, s16, $0x38;
	[tilespmem:$0x6C00] =	vst v63  }
0x99: {  	_ =	swait.ge [sflag:s31], $0x1400  }
0x9a: {  	[sflag:s31] =	ssyncset.done $0x0  }
0x9b: {  	s9 =	simm.s32 $0x0;
	[sflag:s31] =	ssyncadd.s32 $0xFFFFEC00  }
.LBB2_4:
0x9c: {  	s10 =	sshra.s32 s8, $0x2  }
0x9d: {  	v7 =	vld [tilespmem:s10+$0x0];
	_ =	sdelay $0x4  }
0x9e: {  	vm3 =	vgt.f32 v7, $0.0e+00  }
0x9f: {  	v8 =	vsel vm3, $0x3F800000, v0  }
0xa0: {  	(xrf2) =	vadd.scan.msk.f32 $0xffff, v8;
	_ =	sdelay $0x9  }
0xa1: {  	v8, _, _ =	vpop (xrf2)  }
0xa2: {  	(v2sf) =	vpush v8, $0xF;
	_ =	sdelay $0xe  }
0xa3: {  	s11 =	spop (v2sf)  }
0xa4: {  	s11 =	scvt.f32.s32 s11;
	_ =	sdelay $0x1  }
0xa5: {  	p1 =	slt.s32 s11, $0x1  }
0xa6: {  	v8 =	vsel @!p1 vm3, $0x1, v2  }
0xa7: {  	v9 =	vperm.xlane @!p1 v8, v1  }
0xa8: {  	vm4 =	veq.s32 @!p1 v5, $0x0  }
0xa9: {  	v9 =	vsel @!p1 vm4, $0x0, v9  }
0xaa: {  	v8 =	vadd.s32 @!p1 v8, v9  }
0xab: {  	v9 =	vperm.xlane @!p1 v8, v3;
	_ =	sdelay $0x1  }
0xac: {  	v9 =	vsel @!p1 vm0, $0x0, v9  }
0xad: {  	v8 =	vadd.s32 @!p1 v9, v8  }
0xae: {  	v9 =	vperm.xlane @!p1 v8, v4;
	_ =	sdelay $0x1  }
0xaf: {  	v9 =	vsel @!p1 vm1, $0x0, v9  }
0xb0: {  	v8 =	vadd.s32 @!p1 v9, v8;
	v9 =	vmov @!p1 s9  }
0xb1: {  	v10 =	vperm.xlane @!p1 v8, v6;
	v9 =	vadd.s32 @!p1 $0xFFFFFFFF, v9  }
0xb2: {  	v9 =	vbroadcast @!p1 v9, $0x0  }
0xb3: {  	v10 =	vsel @!p1 vm2, $0x0, v10  }
0xb4: {  	v9 =	vadd.s32 @!p1 v10, v9  }
0xb5: {  	v8 =	vadd.s32 @!p1 v8, v9  }
0xb6: {  	vm4 =	vlt.s32 @!p1 v8, $0x180  }
0xb7: {  	vm3 =	vmand @!p1 vm3, vm4;
	_ =	sdelay $0x5  }
0xb8: {  	[tilespmem:v8+s1+$0x0] =	vst.idx.msk @!p1 vm3, v7  }
0xb9: {  	v7 =	vld @!p1 [tilespmem:s10+$0x1400];
	_ =	sdelay $0x4  }
0xba: {  	[tilespmem:v8+s2+$0x0] =	vst.idx.msk @!p1 vm3, v7  }
0xbb: {  	v7 =	vld @!p1 [tilespmem:s10+$0x2800];
	_ =	sdelay $0x4  }
0xbc: {  	[tilespmem:v8+s3+$0x0] =	vst.idx.msk @!p1 vm3, v7  }
0xbd: {  	v7 =	vld @!p1 [tilespmem:s10+$0x3C00];
	_ =	sdelay $0x4  }
0xbe: {  	[tilespmem:v8+s4+$0x0] =	vst.idx.msk @!p1 vm3, v7  }
0xbf: {  	v7 =	vld @!p1 [tilespmem:s10+$0x5000];
	_ =	sdelay $0x3  }
0xc0: {  	s8 =	sadd.s32 $0x40, s8  }
0xc1: {  	[tilespmem:v8+s5+$0x0] =	vst.idx.msk @!p1 vm3, v7;
	p1 =	sne.s32 s8, $0x5000  }
.Ltmp3:
0xc2: {  	_ = 	snop;
	(pc) =	sbr.rel @p1 .LBB2_4-.Ltmp3, $2  }
0xc3: {  	_ =	sdelay $0x2  }
0xc4: {  	s9 =	sadd.s32 s11, s9  }
0xc5: {  	v7 =	vmov s9  }
0xc6: {  	[tilespmem:$0x6B80] =	vst v7  }
0xc7: {  	[hbm4b:s17+s19] =	stream.linear.scatter [tilespmem:s6], [sflag:$0x1], $0x80, $0x38;
	[tilespmem:$0x6C00] =	vst v63  }
0xc8: {  	_ =	swait.ge [sflag:s31], $0x80  }
0xc9: {  	[sflag:s31] =	ssyncset.done $0x0  }
0xca: {  	[sflag:s31] =	ssyncadd.s32 $0xFFFFFF80  }
0xcb: {  	[hbm4b:s25+s16] =	stream.strided.scatter [tilespmem:s1], [sflag:$0x1], $0x180, s18, s16, $0x38;
	[tilespmem:$0x6C00] =	vst v63  }
0xcc: {  	_ =	swait.ge [sflag:s31], $0x180  }
0xcd: {  	[sflag:s31] =	ssyncset.done $0x0  }
0xce: {  	[sflag:s31] =	ssyncadd.s32 $0xFFFFFE80  }
0xcf: {  	[hbm4b:s26+s16] =	stream.strided.scatter [tilespmem:s2], [sflag:$0x1], $0x180, s18, s16, $0x38;
	[tilespmem:$0x6C00] =	vst v63  }
0xd0: {  	_ =	swait.ge [sflag:s31], $0x180  }
0xd1: {  	[sflag:s31] =	ssyncset.done $0x0  }
0xd2: {  	[sflag:s31] =	ssyncadd.s32 $0xFFFFFE80  }
0xd3: {  	[hbm4b:s28+s16] =	stream.strided.scatter [tilespmem:s3], [sflag:$0x1], $0x180, s18, s16, $0x38;
	[tilespmem:$0x6C00] =	vst v63  }
0xd4: {  	_ =	swait.ge [sflag:s31], $0x180  }
0xd5: {  	[sflag:s31] =	ssyncset.done $0x0  }
0xd6: {  	[sflag:s31] =	ssyncadd.s32 $0xFFFFFE80  }
0xd7: {  	[hbm4b:s29+s16] =	stream.strided.scatter [tilespmem:s4], [sflag:$0x1], $0x180, s18, s16, $0x38;
	[tilespmem:$0x6C00] =	vst v63  }
0xd8: {  	_ =	swait.ge [sflag:s31], $0x180  }
0xd9: {  	[sflag:s31] =	ssyncset.done $0x0  }
.Ltmp4:
0xda: {  	[sflag:s31] =	ssyncadd.s32 $0xFFFFFE80;
	(pc) =	sbr.rel @p0 .LBB2_9-.Ltmp4, $4  }
0xdb: {  	[hbm4b:s30+s16] =	stream.strided.scatter [tilespmem:s5], [sflag:$0x1], $0x180, s18, s16, $0x38;
	[tilespmem:$0x6C00] =	vst v63  }
0xdc: {  	_ =	swait.ge [sflag:s31], $0x180  }
0xdd: {  	[sflag:s31] =	ssyncset.done $0x0  }
0xde: {  	[sflag:s31] =	ssyncadd.s32 $0xFFFFFE80  }
0xdf: {  	s8 =	simm.s32 $0x0;
	s9 =	rddreg [dreg:$0xd]  }
0xe0: {  	[tilespmem:s8], [sflag:$0x1] =	stream.strided.gather [hbm4b:s9+s16], $0x1400, s18, s16, $0x38;
	[tilespmem:$0x6C00] =	vst v63  }
0xe1: {  	_ =	swait.ge [sflag:s31], $0x1400  }
0xe2: {  	[sflag:s31] =	ssyncset.done $0x0  }
0xe3: {  	s10 =	rddreg [dreg:$0xe];
	[sflag:s31] =	ssyncadd.s32 $0xFFFFEC00  }
0xe4: {  	[tilespmem:s0], [sflag:$0x1] =	stream.strided.gather [hbm4b:s10+s16], $0x1400, s18, s16, $0x38;
	[tilespmem:$0x6C00] =	vst v63  }
0xe5: {  	_ =	swait.ge [sflag:s31], $0x1400  }
0xe6: {  	[sflag:s31] =	ssyncset.done $0x0  }
0xe7: {  	s11 =	rddreg [dreg:$0xf];
	[sflag:s31] =	ssyncadd.s32 $0xFFFFEC00  }
0xe8: {  	[tilespmem:s12], [sflag:$0x1] =	stream.strided.gather [hbm4b:s11+s16], $0x1400, s18, s16, $0x38;
	[tilespmem:$0x6C00] =	vst v63  }
0xe9: {  	_ =	swait.ge [sflag:s31], $0x1400  }
0xea: {  	[sflag:s31] =	ssyncset.done $0x0  }
0xeb: {  	s10 =	rddreg [dreg:$0x10];
	[sflag:s31] =	ssyncadd.s32 $0xFFFFEC00  }
0xec: {  	[tilespmem:s13], [sflag:$0x1] =	stream.strided.gather [hbm4b:s10+s16], $0x1400, s18, s16, $0x38;
	[tilespmem:$0x6C00] =	vst v63  }
0xed: {  	_ =	swait.ge [sflag:s31], $0x1400  }
0xee: {  	[sflag:s31] =	ssyncset.done $0x0  }
0xef: {  	s11 =	rddreg [dreg:$0x11];
	[sflag:s31] =	ssyncadd.s32 $0xFFFFEC00  }
0xf0: {  	[tilespmem:s14], [sflag:$0x1] =	stream.strided.gather [hbm4b:s11+s16], $0x1400, s18, s16, $0x38;
	[tilespmem:$0x6C00] =	vst v63  }
0xf1: {  	_ =	swait.ge [sflag:s31], $0x1400  }
0xf2: {  	[sflag:s31] =	ssyncset.done $0x0  }
0xf3: {  	s9 =	simm.s32 $0x0;
	[sflag:s31] =	ssyncadd.s32 $0xFFFFEC00  }
.LBB2_7:
0xf4: {  	s10 =	sshra.s32 s8, $0x2  }
0xf5: {  	v7 =	vld [tilespmem:s10+$0x0];
	_ =	sdelay $0x4  }
0xf6: {  	vm3 =	vgt.f32 v7, $0.0e+00  }
0xf7: {  	v8 =	vsel vm3, $0x3F800000, v0  }
0xf8: {  	(xrf2) =	vadd.scan.msk.f32 $0xffff, v8;
	_ =	sdelay $0x9  }
0xf9: {  	v8, _, _ =	vpop (xrf2)  }
0xfa: {  	(v2sf) =	vpush v8, $0xF;
	_ =	sdelay $0xe  }
0xfb: {  	s11 =	spop (v2sf)  }
0xfc: {  	s11 =	scvt.f32.s32 s11;
	_ =	sdelay $0x1  }
0xfd: {  	p1 =	slt.s32 s11, $0x1  }
0xfe: {  	v8 =	vsel @!p1 vm3, $0x1, v2  }
0xff: {  	v9 =	vperm.xlane @!p1 v8, v1  }
0x100: {  	vm4 =	veq.s32 @!p1 v5, $0x0  }
0x101: {  	v9 =	vsel @!p1 vm4, $0x0, v9  }
0x102: {  	v8 =	vadd.s32 @!p1 v8, v9  }
0x103: {  	v9 =	vperm.xlane @!p1 v8, v3;
	_ =	sdelay $0x1  }
0x104: {  	v9 =	vsel @!p1 vm0, $0x0, v9  }
0x105: {  	v8 =	vadd.s32 @!p1 v9, v8  }
0x106: {  	v9 =	vperm.xlane @!p1 v8, v4;
	_ =	sdelay $0x1  }
0x107: {  	v9 =	vsel @!p1 vm1, $0x0, v9  }
0x108: {  	v8 =	vadd.s32 @!p1 v9, v8;
	v9 =	vmov @!p1 s9  }
0x109: {  	v10 =	vperm.xlane @!p1 v8, v6;
	v9 =	vadd.s32 @!p1 $0xFFFFFFFF, v9  }
0x10a: {  	v9 =	vbroadcast @!p1 v9, $0x0  }
0x10b: {  	v10 =	vsel @!p1 vm2, $0x0, v10  }
0x10c: {  	v9 =	vadd.s32 @!p1 v10, v9  }
0x10d: {  	v8 =	vadd.s32 @!p1 v8, v9  }
0x10e: {  	vm4 =	vlt.s32 @!p1 v8, $0x180  }
0x10f: {  	vm3 =	vmand @!p1 vm3, vm4;
	_ =	sdelay $0x5  }
0x110: {  	[tilespmem:v8+s1+$0x0] =	vst.idx.msk @!p1 vm3, v7  }
0x111: {  	v7 =	vld @!p1 [tilespmem:s10+$0x1400];
	_ =	sdelay $0x4  }
0x112: {  	[tilespmem:v8+s2+$0x0] =	vst.idx.msk @!p1 vm3, v7  }
0x113: {  	v7 =	vld @!p1 [tilespmem:s10+$0x2800];
	_ =	sdelay $0x4  }
0x114: {  	[tilespmem:v8+s3+$0x0] =	vst.idx.msk @!p1 vm3, v7  }
0x115: {  	v7 =	vld @!p1 [tilespmem:s10+$0x3C00];
	_ =	sdelay $0x4  }
0x116: {  	[tilespmem:v8+s4+$0x0] =	vst.idx.msk @!p1 vm3, v7  }
0x117: {  	v7 =	vld @!p1 [tilespmem:s10+$0x5000];
	_ =	sdelay $0x3  }
0x118: {  	s8 =	sadd.s32 $0x40, s8  }
0x119: {  	[tilespmem:v8+s5+$0x0] =	vst.idx.msk @!p1 vm3, v7;
	p1 =	sne.s32 s8, $0x5000  }
.Ltmp5:
0x11a: {  	_ = 	snop;
	(pc) =	sbr.rel @p1 .LBB2_7-.Ltmp5, $2  }
0x11b: {  	_ =	sdelay $0x2  }
0x11c: {  	s9 =	sadd.s32 s11, s9  }
0x11d: {  	v7 =	vmov s9  }
0x11e: {  	s8 =	rddreg [dreg:$0x12];
	[tilespmem:$0x6B80] =	vst v7  }
0x11f: {  	[hbm4b:s8+s19] =	stream.linear.scatter [tilespmem:s6], [sflag:$0x1], $0x80, $0x38;
	[tilespmem:$0x6C00] =	vst v63  }
0x120: {  	_ =	swait.ge [sflag:s31], $0x80  }
0x121: {  	[sflag:s31] =	ssyncset.done $0x0  }
0x122: {  	s10 =	rddreg [dreg:$0x13];
	[sflag:s31] =	ssyncadd.s32 $0xFFFFFF80  }
0x123: {  	[hbm4b:s10+s16] =	stream.strided.scatter [tilespmem:s1], [sflag:$0x1], $0x180, s18, s16, $0x38;
	[tilespmem:$0x6C00] =	vst v63  }
0x124: {  	_ =	swait.ge [sflag:s31], $0x180  }
0x125: {  	[sflag:s31] =	ssyncset.done $0x0  }
0x126: {  	s11 =	rddreg [dreg:$0x14];
	[sflag:s31] =	ssyncadd.s32 $0xFFFFFE80  }
0x127: {  	[hbm4b:s11+s16] =	stream.strided.scatter [tilespmem:s2], [sflag:$0x1], $0x180, s18, s16, $0x38;
	[tilespmem:$0x6C00] =	vst v63  }
0x128: {  	_ =	swait.ge [sflag:s31], $0x180  }
0x129: {  	[sflag:s31] =	ssyncset.done $0x0  }
0x12a: {  	s9 =	rddreg [dreg:$0x15];
	[sflag:s31] =	ssyncadd.s32 $0xFFFFFE80  }
0x12b: {  	[hbm4b:s9+s16] =	stream.strided.scatter [tilespmem:s3], [sflag:$0x1], $0x180, s18, s16, $0x38;
	[tilespmem:$0x6C00] =	vst v63  }
0x12c: {  	_ =	swait.ge [sflag:s31], $0x180  }
0x12d: {  	[sflag:s31] =	ssyncset.done $0x0  }
0x12e: {  	s10 =	rddreg [dreg:$0x16];
	[sflag:s31] =	ssyncadd.s32 $0xFFFFFE80  }
0x12f: {  	[hbm4b:s10+s16] =	stream.strided.scatter [tilespmem:s4], [sflag:$0x1], $0x180, s18, s16, $0x38;
	[tilespmem:$0x6C00] =	vst v63  }
0x130: {  	_ =	swait.ge [sflag:s31], $0x180  }
0x131: {  	[sflag:s31] =	ssyncset.done $0x0  }
.Ltmp6:
0x132: {  	s11 =	rddreg [dreg:$0x17];
	[sflag:s31] =	ssyncadd.s32 $0xFFFFFE80;
	(pc) =	sbr.rel .LBB2_9-.Ltmp6, $4  }
0x133: {  	[hbm4b:s11+s16] =	stream.strided.scatter [tilespmem:s5], [sflag:$0x1], $0x180, s18, s16, $0x38;
	[tilespmem:$0x6C00] =	vst v63  }
0x134: {  	_ =	swait.ge [sflag:s31], $0x180  }
0x135: {  	[sflag:s31] =	ssyncset.done $0x0  }
0x136: {  	[sflag:s31] =	ssyncadd.s32 $0xFFFFFE80  }
.LBB2_10:
0x137: {  	_ =	sfence.sel $0x180000  }
0x138: {  	[bflag:$0x0] =	sbarrier.arrive $0xFFFF  }
0x139: {  	_ =	strace $0x90000047  }
0x13a: {  	s0 =	stileid.u32;
	[bflag:$0x2] =	sbarrier.arrive $0xFFFF  }
0x13b: {  	p0 =	sne.s32 s0, $0x0;
	s0 =	rddreg [dreg:$0x1]  }
0x13c: {  	s0 =	sadd.s32 @!p0 $0x100000, s0  }
0x13d: {  	[sflag:s0] =	ssyncadd.tile.s32 @!p0 $0x1;
	_ =	shalt  }
.Lfunc_end2:
_tile_overlayer_lowered:
.L_overlay_start_2:
0x13e: {  	(tag) =	ssettag $0x2  }
0x13f: {  	s0 =	rddreg [dreg:$0x0];
	s2 =	stileid.u32  }
0x140: {  	s1 =	rddreg [dreg:$0x1];
	p0 =	sne.s32 s2, $0x0  }
0x141: {  	s3 =	rddreg [dreg:$0x2];
	[bflag:$0x3] =	sbarrier.arrive $0xFFFF;
	s2 =	simm.s32 @!p0 $0x1C01  }
0x142: {  	[timem:s3], [sflag:s2] =	dma.local @!p0 [hbm:s0], s1  }
0x143: {  	s0 =	simm.s32 @!p0 $0x1  }
0x144: {  	_ =	swait.ge @!p0 [sflag:s0], s1  }
0x145: {  	s1 =	ssub.s32 @!p0 $0x0, s1;
	[sflag:s0] =	ssyncset.done @!p0 $0x0  }
0x146: {  	[sflag:s0] =	ssyncadd.s32 @!p0 s1  }
0x147: {  	[bflag:$0x3] =	sbarrier.arrive $0xFFFF  }
0x148: {  	_ =	shalt  }

</sc_bundles>
